<compile_context>
chip_gen: v7x
topology: tpu7x:2x2x1
jax: 0.10.2.dev20260603
libtpu: 0.0.44.dev20260713+nightly
codegen_flags: <defaults>
</compile_context>

<pallas_src>
import functools

import jax
import jax.numpy as jnp
from jax import lax
from jax.experimental import pallas as pl
from jax.experimental.pallas import tpu as pltpu
from jax.experimental.pallas import tpu_sc as plsc

B = 4
N = 20000
NPAD = 32768
LANES = 128
ROWS_PER_B = NPAD // LANES
BR = B * ROWS_PER_B
PRE = 2048
PRE_REAL = 2000
PRE_ROWS = PRE // LANES
POST = 1000
POST_PAD = 1024
NMS_T = 0.7
IMG = 800.0
NEG = -3.0e38



def _sort_body(obj_ref, sc_ref, ix_ref):
    x = obj_ref[...]
    r = lax.broadcasted_iota(jnp.int32, (BR, LANES), 0)
    c = lax.broadcasted_iota(jnp.int32, (BR, LANES), 1)
    pos = (r % ROWS_PER_B) * LANES + c
    xi = pos
    def _cmpx(x, xi, m, region_desc, axis, shift):
        size = BR if axis == 0 else LANES
        is_lower = (pos & m) == 0
        fx = pltpu.roll(x, size - shift, axis)
        bx = pltpu.roll(x, shift, axis)
        fi = pltpu.roll(xi, size - shift, axis)
        bi = pltpu.roll(xi, shift, axis)
        pv = jnp.where(is_lower, fx, bx)
        pi = jnp.where(is_lower, fi, bi)
        want_first = is_lower == region_desc
        rb = (x > pv) | ((x == pv) & (xi < pi))
        take_self = rb == want_first
        return jnp.where(take_self, x, pv), jnp.where(take_self, xi, pi)

    for s in range(15):
        region_desc = (pos & (1 << (s + 1))) == 0
        if s >= 7:
            def _row_body(j, carry, s=s, region_desc=region_desc):
                x, xi = carry
                mr = lax.shift_left(jnp.int32(1), jnp.int32(s - 7) - j)
                return _cmpx(x, xi, mr * LANES, region_desc, 0, mr)

            x, xi = lax.fori_loop(0, s - 6, _row_body, (x, xi))
        dmax = min(s, 6)

        def _lane_body(j, carry, dmax=dmax, region_desc=region_desc):
            x, xi = carry
            m = lax.shift_left(jnp.int32(1), jnp.int32(dmax) - j)
            return _cmpx(x, xi, m, region_desc, 1, m)

        x, xi = lax.fori_loop(0, dmax + 1, _lane_body, (x, xi))
    sc_parts = [x[b * ROWS_PER_B:b * ROWS_PER_B + PRE_ROWS] for b in range(B)]
    ix_parts = [xi[b * ROWS_PER_B:b * ROWS_PER_B + PRE_ROWS] + b * N
                for b in range(B)]
    sc_ref[...] = jnp.concatenate(sc_parts, axis=0)
    ix_ref[...] = jnp.concatenate(ix_parts, axis=0)


def _build_sort(interpret=False):
    return pl.pallas_call(
        _sort_body,
        out_shape=(
            jax.ShapeDtypeStruct((B * PRE_ROWS, LANES), jnp.float32),
            jax.ShapeDtypeStruct((B * PRE_ROWS, LANES), jnp.int32),
        ),
        interpret=interpret,
    )



_NW = 32
_CHUNK = 128
_IDX_TOTAL = B * PRE
_ROUNDS = _IDX_TOTAL // (_NW * _CHUNK)


def _sc_gather_body(idx_hbm, x1_hbm, y1_hbm, x2_hbm, y2_hbm, s_hbm,
                    o1_hbm, o2_hbm, o3_hbm, o4_hbm, o5_hbm, idx_v, val_v, sem):
    wid = lax.axis_index("s") * 2 + lax.axis_index("c")
    tabs = (x1_hbm, y1_hbm, x2_hbm, y2_hbm, s_hbm)
    outs = (o1_hbm, o2_hbm, o3_hbm, o4_hbm, o5_hbm)
    for g in range(_ROUNDS):
        base = (g * _NW + wid) * _CHUNK
        pltpu.sync_copy(idx_hbm.at[pl.ds(base, _CHUNK)], idx_v)
        for tab, out in zip(tabs, outs):
            pltpu.async_copy(tab.at[idx_v], val_v, sem).wait()
            pltpu.sync_copy(val_v, out.at[pl.ds(base, _CHUNK)])


def _build_sc_gather():
    mesh = plsc.VectorSubcoreMesh(core_axis_name="c", subcore_axis_name="s",
                                  num_cores=2)
    return functools.partial(
        pl.kernel,
        mesh=mesh,
        out_type=tuple(jax.ShapeDtypeStruct((_IDX_TOTAL,), jnp.float32)
                       for _ in range(5)),
        scratch_types=[
            pltpu.VMEM((_CHUNK,), jnp.int32),
            pltpu.VMEM((_CHUNK,), jnp.float32),
            pltpu.SemaphoreType.DMA,
        ],
    )(_sc_gather_body)




def _nms_body(x5_ref, bo_ref, so_ref):
    arr = x5_ref[...][0]
    arrT = jnp.transpose(arr, (1, 0))

    x1c = jnp.clip(arrT[:, 0:1], 0.0, IMG)
    y1c = jnp.clip(arrT[:, 1:2], 0.0, IMG)
    x2c = jnp.clip(arrT[:, 2:3], 0.0, IMG)
    y2c = jnp.clip(arrT[:, 3:4], 0.0, IMG)
    s_col = arrT[:, 4:5]
    x1r = jnp.clip(arr[0:1, :], 0.0, IMG)
    y1r = jnp.clip(arr[1:2, :], 0.0, IMG)
    x2r = jnp.clip(arr[2:3, :], 0.0, IMG)
    y2r = jnp.clip(arr[3:4, :], 0.0, IMG)

    pos_col = lax.broadcasted_iota(jnp.int32, (PRE, 1), 0)
    pos_row = lax.broadcasted_iota(jnp.int32, (1, PRE), 1)

    wr = x2r - x1r
    hr = y2r - y1r
    valid_row = ((wr >= 1.0) & (hr >= 1.0) & (pos_row < PRE_REAL))
    area_c = (x2c - x1c) * (y2c - y1c)
    area_r = wr * hr

    iw = jnp.maximum(jnp.minimum(x2c, x2r) - jnp.maximum(x1c, x1r), 0.0)
    ih = jnp.maximum(jnp.minimum(y2c, y2r) - jnp.maximum(y1c, y1r), 0.0)
    inter = iw * ih
    iou = inter / (area_c + area_r - inter + 1e-9)
    sup = (iou > NMS_T) & (pos_row > pos_col)
    sup_f = jnp.where(sup, 1.0, 0.0)

    valid_f = jnp.where(valid_row, 1.0, 0.0)

    def _cond(carry):
        _, changed, it = carry
        return changed & (it < PRE)

    def _body(carry):
        keep, _, it = carry
        hit = lax.dot_general(keep, sup_f, (((1,), (0,)), ((), ())),
                              preferred_element_type=jnp.float32)
        new = valid_f * jnp.where(hit < 0.5, 1.0, 0.0)
        return new, jnp.any(new != keep), it + 1

    keep, _, _ = lax.while_loop(
        _cond, _body, (valid_f, jnp.bool_(True), jnp.int32(0)))

    cum = keep
    sh = 1
    while sh < PRE:
        cum = cum + jnp.concatenate(
            [jnp.zeros((1, sh), jnp.float32), cum[:, :PRE - sh]], axis=1)
        sh *= 2
    rank0 = cum - 1.0

    p_iota = lax.broadcasted_iota(jnp.int32, (POST_PAD, 1), 0).astype(jnp.float32)
    sel = (keep > 0.5) & (rank0 == p_iota)
    sel_f = jnp.where(sel, 1.0, 0.0)

    boxes_clip = jnp.concatenate([x1c, y1c, x2c, y2c], axis=1)
    prob = 1.0 / (1.0 + jnp.exp(-s_col))

    out_b = lax.dot_general(sel_f, boxes_clip, (((1,), (0,)), ((), ())),
                            preferred_element_type=jnp.float32)
    out_s = lax.dot_general(sel_f, prob, (((1,), (0,)), ((), ())),
                            preferred_element_type=jnp.float32)
    bo_ref[...] = out_b[None]
    so_ref[...] = out_s[None]


def _build_nms(interpret=False):
    return pl.pallas_call(
        _nms_body,
        grid=(B,),
        in_specs=[
            pl.BlockSpec((1, 8, PRE), lambda b: (b, 0, 0)),
        ],
        out_specs=[
            pl.BlockSpec((1, POST_PAD, 4), lambda b: (b, 0, 0)),
            pl.BlockSpec((1, POST_PAD, 1), lambda b: (b, 0, 0)),
        ],
        out_shape=(
            jax.ShapeDtypeStruct((B, POST_PAD, 4), jnp.float32),
            jax.ShapeDtypeStruct((B, POST_PAD, 1), jnp.float32),
        ),
        interpret=interpret,
    )


_sort_call = _build_sort()
_nms_call = _build_nms()


def _gather5(flat_idx, proposals, objectness):
    flat = proposals.reshape(B * N, 4)
    return _build_sc_gather()(flat_idx, flat[:, 0], flat[:, 1],
                              flat[:, 2], flat[:, 3],
                              objectness.reshape(B * N))


def kernel(proposals, objectness):
    obj_pad = jnp.pad(objectness, ((0, 0), (0, NPAD - N)),
                      constant_values=NEG).reshape(BR, LANES)
    _, ix_sorted = _sort_call(obj_pad)
    flat_idx = ix_sorted.reshape(_IDX_TOTAL)
    cols5 = _gather5(flat_idx, proposals, objectness)
    x5 = jnp.stack(cols5 + cols5[4:5] + cols5[4:5] + cols5[4:5], axis=0)
    x5 = x5.reshape(8, B, PRE).transpose(1, 0, 2)
    bo, so = _nms_call(x5)
    return bo[:, :POST, :], so[:, :POST, 0]

# --- scband reference (transcript-rebuilt; emitter-appended) ---
"""Pipeline reference for scband-region-proposal-network-91190745629259 (READ-ONLY COPY).

The authoritative reference and input builder live on the scoring server;
editing this copy changes nothing except your own understanding.
"""

import jax, jax.numpy as jnp
import numpy as np

PRE_NMS_TOP_N = 2000
POST_NMS_TOP_N = 1000
NMS_THRESH = 0.7
SCORE_THRESH = 0.0
MIN_SIZE = 1.0
IMG_H, IMG_W = 800.0, 800.0


def setup_inputs(seed: int = 0) -> dict:
    key = jax.random.key(seed)
    k1, k2, k3, k4, k5 = jax.random.split(key, 5)
    B, N = 4, 20000
    cx = jax.random.uniform(k1, (B, N), dtype=jnp.float32) * IMG_W
    cy = jax.random.uniform(k2, (B, N), dtype=jnp.float32) * IMG_H
    w = jax.random.uniform(k3, (B, N), dtype=jnp.float32) * 180.0 + 2.0
    h = jax.random.uniform(k4, (B, N), dtype=jnp.float32) * 180.0 + 2.0
    proposals = jnp.stack([cx - w / 2, cy - h / 2, cx + w / 2, cy + h / 2], axis=-1)
    objectness = jax.random.normal(k5, (B, N), dtype=jnp.float32)
    return {"proposals": proposals, "objectness": objectness}


def _clip_boxes(boxes):
    x1 = jnp.clip(boxes[:, 0], 0.0, IMG_W)
    y1 = jnp.clip(boxes[:, 1], 0.0, IMG_H)
    x2 = jnp.clip(boxes[:, 2], 0.0, IMG_W)
    y2 = jnp.clip(boxes[:, 3], 0.0, IMG_H)
    return jnp.stack([x1, y1, x2, y2], axis=-1)


def _iou_matrix(boxes):
    area = (boxes[:, 2] - boxes[:, 0]) * (boxes[:, 3] - boxes[:, 1])
    lt = jnp.maximum(boxes[:, None, :2], boxes[None, :, :2])
    rb = jnp.minimum(boxes[:, None, 2:], boxes[None, :, 2:])
    wh = jnp.clip(rb - lt, 0.0)
    inter = wh[..., 0] * wh[..., 1]
    return inter / (area[:, None] + area[None, :] - inter + 1e-9)


def _per_image(boxes, scores):
    # clip_boxes_to_image
    boxes = _clip_boxes(boxes)
    # remove_small_boxes + score_thresh as a validity mask
    ws = boxes[:, 2] - boxes[:, 0]
    hs = boxes[:, 3] - boxes[:, 1]
    valid = (ws >= MIN_SIZE) & (hs >= MIN_SIZE) & (scores >= SCORE_THRESH)
    # greedy NMS on score-descending boxes (already sorted by topk)
    iou = jax.lax.stop_gradient(_iou_matrix(boxes))
    M = boxes.shape[0]
    idxs = jnp.arange(M)

    def body(keep, i):
        suppress = (iou[i] > NMS_THRESH) & keep[i] & (idxs > i)
        return keep & (~suppress), None

    keep, _ = jax.lax.scan(body, valid, jnp.arange(M))
    kept_scores = jnp.where(keep, scores, -1.0)
    vals, top_idx = jax.lax.top_k(kept_scores, POST_NMS_TOP_N)
    ok = vals >= 0.0
    out_scores = jnp.where(ok, vals, 0.0)
    out_boxes = jnp.where(ok[:, None], boxes[top_idx], 0.0)
    return out_boxes, out_scores


def reference(proposals, objectness):
    # filter_proposals: per-image pre-NMS topk over objectness
    B = proposals.shape[0]
    top_scores, top_idx = jax.lax.top_k(objectness, PRE_NMS_TOP_N)
    batch_idx = jnp.arange(B)[:, None]
    sel_boxes = proposals[batch_idx, top_idx]
    probs = jax.nn.sigmoid(top_scores)
    boxes_out, scores_out = jax.vmap(_per_image)(sel_boxes, probs)
    return boxes_out, scores_out

if __name__ == "__main__":
    import jax
    _d = setup_inputs()
    print(jax.jit(kernel)(*tuple(_d.values())))

</pallas_src>

<mosaic_0001>
#map = affine_map<(d0, d1) -> (0)>
module attributes {stable_mosaic.version = 14 : i64} {
  func.func @_sc_gather_body(%arg0: i32, %arg1: i32, %arg2: memref<8192xi32, #tpu.memory_space<hbm>>, %arg3: memref<80000xf32, #tpu.memory_space<hbm>>, %arg4: memref<80000xf32, #tpu.memory_space<hbm>>, %arg5: memref<80000xf32, #tpu.memory_space<hbm>>, %arg6: memref<80000xf32, #tpu.memory_space<hbm>>, %arg7: memref<80000xf32, #tpu.memory_space<hbm>>, %arg8: memref<8192xf32, #tpu.memory_space<hbm>>, %arg9: memref<8192xf32, #tpu.memory_space<hbm>>, %arg10: memref<8192xf32, #tpu.memory_space<hbm>>, %arg11: memref<8192xf32, #tpu.memory_space<hbm>>, %arg12: memref<8192xf32, #tpu.memory_space<hbm>>, %arg13: memref<128xi32, #tpu.memory_space<vmem>>, %arg14: memref<128xf32, #tpu.memory_space<vmem>>, %arg15: memref<!tpu.dma_semaphore, #tpu.memory_space<semaphore_mem>>) attributes {dimension_semantics = [#tpu.dimension_semantics<core_parallel>, #tpu.dimension_semantics<subcore_parallel>], iteration_bounds = array<i64: 2, 16>, scalar_prefetch = 0 : i64, scratch_operands = 3 : i64, tpu.core_type = #tpu.core_type<sc_vector_subcore>, window_params = [{transform_indices = #map}, {transform_indices = #map}, {transform_indices = #map}, {transform_indices = #map}, {transform_indices = #map}, {transform_indices = #map}, {transform_indices = #map}, {transform_indices = #map}, {transform_indices = #map}, {transform_indices = #map}, {transform_indices = #map}]} {
    %mul3A = arith.constant 2 : i32
    %mul3A_0 = arith.muli %arg1, %mul3A : i32
    %add3A = arith.addi %mul3A_0, %arg0 : i32
    %add3A_1 = arith.constant 0 : i32
    %add3A_2 = arith.addi %add3A_1, %add3A : i32
    %mul3A_3 = arith.constant 128 : i32
    %mul3A_4 = arith.muli %add3A_2, %mul3A_3 : i32
    "tpu.region"() ({
      %run_scoped3A = tpu.sem_alloc : memref<!tpu.dma_semaphore, #tpu.memory_space<semaphore_mem>>
      %dma_start3A_47 = tpu.memref_slice %arg2[%mul3A_4] : memref<8192xi32, #tpu.memory_space<hbm>> -> memref<128xi32, #tpu.memory_space<hbm>>
      %dma_start3A_48 = tpu.memref_slice %arg2[%mul3A_4] : memref<8192xi32, #tpu.memory_space<hbm>> -> memref<128xi32, #tpu.memory_space<hbm>>
      tpu.enqueue_dma source(%dma_start3A_48 : memref<128xi32, #tpu.memory_space<hbm>>) target(%arg13 : memref<128xi32, #tpu.memory_space<vmem>>) target_semaphore(%run_scoped3A : memref<!tpu.dma_semaphore, #tpu.memory_space<semaphore_mem>>)
      %dma_wait3A_49 = tpu.memref_slice %arg2[%mul3A_4] : memref<8192xi32, #tpu.memory_space<hbm>> -> memref<128xi32, #tpu.memory_space<hbm>>
      %dma_wait3A_50 = tpu.memref_slice %arg2[%mul3A_4] : memref<8192xi32, #tpu.memory_space<hbm>> -> memref<128xi32, #tpu.memory_space<hbm>>
      tpu.wait_dma2 semaphore(%run_scoped3A : memref<!tpu.dma_semaphore, #tpu.memory_space<semaphore_mem>>) src(%dma_wait3A_50 : memref<128xi32, #tpu.memory_space<hbm>>) dst(%arg13 : memref<128xi32, #tpu.memory_space<vmem>>)
      tpu.yield
    }) : () -> ()
    %dma_start3A = arith.constant 0 : i32
    %dma_start3A_5 = tpu.memref_slice %arg3[%dma_start3A] : memref<80000xf32, #tpu.memory_space<hbm>> -> memref<80000xf32, #tpu.memory_space<hbm>>
    tpu.enqueue_indirect_dma source(%dma_start3A_5 : memref<80000xf32, #tpu.memory_space<hbm>>) target(%arg14 : memref<128xf32, #tpu.memory_space<vmem>>) offsets(%arg13 : memref<128xi32, #tpu.memory_space<vmem>>) semaphore(%arg15 : memref<!tpu.dma_semaphore, #tpu.memory_space<semaphore_mem>>)
    %dma_wait3A = arith.constant 0 : i32
    %dma_wait3A_6 = tpu.memref_slice %arg3[%dma_wait3A] : memref<80000xf32, #tpu.memory_space<hbm>> -> memref<80000xf32, #tpu.memory_space<hbm>>
    tpu.wait_indirect_dma semaphore(%arg15 : memref<!tpu.dma_semaphore, #tpu.memory_space<semaphore_mem>>) src(%dma_wait3A_6 : memref<80000xf32, #tpu.memory_space<hbm>>) dst(%arg14 : memref<128xf32, #tpu.memory_space<vmem>>)
    "tpu.region"() ({
      %run_scoped3A = tpu.sem_alloc : memref<!tpu.dma_semaphore, #tpu.memory_space<semaphore_mem>>
      %dma_start3A_47 = tpu.memref_slice %arg8[%mul3A_4] : memref<8192xf32, #tpu.memory_space<hbm>> -> memref<128xf32, #tpu.memory_space<hbm>>
      %dma_start3A_48 = tpu.memref_slice %arg8[%mul3A_4] : memref<8192xf32, #tpu.memory_space<hbm>> -> memref<128xf32, #tpu.memory_space<hbm>>
      tpu.enqueue_dma source(%arg14 : memref<128xf32, #tpu.memory_space<vmem>>) target(%dma_start3A_48 : memref<128xf32, #tpu.memory_space<hbm>>) target_semaphore(%run_scoped3A : memref<!tpu.dma_semaphore, #tpu.memory_space<semaphore_mem>>)
      %dma_wait3A_49 = tpu.memref_slice %arg8[%mul3A_4] : memref<8192xf32, #tpu.memory_space<hbm>> -> memref<128xf32, #tpu.memory_space<hbm>>
      %dma_wait3A_50 = tpu.memref_slice %arg8[%mul3A_4] : memref<8192xf32, #tpu.memory_space<hbm>> -> memref<128xf32, #tpu.memory_space<hbm>>
      tpu.wait_dma2 semaphore(%run_scoped3A : memref<!tpu.dma_semaphore, #tpu.memory_space<semaphore_mem>>) src(%arg14 : memref<128xf32, #tpu.memory_space<vmem>>) dst(%dma_wait3A_50 : memref<128xf32, #tpu.memory_space<hbm>>)
      tpu.yield
    }) : () -> ()
    %dma_start3A_7 = arith.constant 0 : i32
    %dma_start3A_8 = tpu.memref_slice %arg4[%dma_start3A_7] : memref<80000xf32, #tpu.memory_space<hbm>> -> memref<80000xf32, #tpu.memory_space<hbm>>
    tpu.enqueue_indirect_dma source(%dma_start3A_8 : memref<80000xf32, #tpu.memory_space<hbm>>) target(%arg14 : memref<128xf32, #tpu.memory_space<vmem>>) offsets(%arg13 : memref<128xi32, #tpu.memory_space<vmem>>) semaphore(%arg15 : memref<!tpu.dma_semaphore, #tpu.memory_space<semaphore_mem>>)
    %dma_wait3A_9 = arith.constant 0 : i32
    %dma_wait3A_10 = tpu.memref_slice %arg4[%dma_wait3A_9] : memref<80000xf32, #tpu.memory_space<hbm>> -> memref<80000xf32, #tpu.memory_space<hbm>>
    tpu.wait_indirect_dma semaphore(%arg15 : memref<!tpu.dma_semaphore, #tpu.memory_space<semaphore_mem>>) src(%dma_wait3A_10 : memref<80000xf32, #tpu.memory_space<hbm>>) dst(%arg14 : memref<128xf32, #tpu.memory_space<vmem>>)
    "tpu.region"() ({
      %run_scoped3A = tpu.sem_alloc : memref<!tpu.dma_semaphore, #tpu.memory_space<semaphore_mem>>
      %dma_start3A_47 = tpu.memref_slice %arg9[%mul3A_4] : memref<8192xf32, #tpu.memory_space<hbm>> -> memref<128xf32, #tpu.memory_space<hbm>>
      %dma_start3A_48 = tpu.memref_slice %arg9[%mul3A_4] : memref<8192xf32, #tpu.memory_space<hbm>> -> memref<128xf32, #tpu.memory_space<hbm>>
      tpu.enqueue_dma source(%arg14 : memref<128xf32, #tpu.memory_space<vmem>>) target(%dma_start3A_48 : memref<128xf32, #tpu.memory_space<hbm>>) target_semaphore(%run_scoped3A : memref<!tpu.dma_semaphore, #tpu.memory_space<semaphore_mem>>)
      %dma_wait3A_49 = tpu.memref_slice %arg9[%mul3A_4] : memref<8192xf32, #tpu.memory_space<hbm>> -> memref<128xf32, #tpu.memory_space<hbm>>
      %dma_wait3A_50 = tpu.memref_slice %arg9[%mul3A_4] : memref<8192xf32, #tpu.memory_space<hbm>> -> memref<128xf32, #tpu.memory_space<hbm>>
      tpu.wait_dma2 semaphore(%run_scoped3A : memref<!tpu.dma_semaphore, #tpu.memory_space<semaphore_mem>>) src(%arg14 : memref<128xf32, #tpu.memory_space<vmem>>) dst(%dma_wait3A_50 : memref<128xf32, #tpu.memory_space<hbm>>)
      tpu.yield
    }) : () -> ()
    %dma_start3A_11 = arith.constant 0 : i32
    %dma_start3A_12 = tpu.memref_slice %arg5[%dma_start3A_11] : memref<80000xf32, #tpu.memory_space<hbm>> -> memref<80000xf32, #tpu.memory_space<hbm>>
    tpu.enqueue_indirect_dma source(%dma_start3A_12 : memref<80000xf32, #tpu.memory_space<hbm>>) target(%arg14 : memref<128xf32, #tpu.memory_space<vmem>>) offsets(%arg13 : memref<128xi32, #tpu.memory_space<vmem>>) semaphore(%arg15 : memref<!tpu.dma_semaphore, #tpu.memory_space<semaphore_mem>>)
    %dma_wait3A_13 = arith.constant 0 : i32
    %dma_wait3A_14 = tpu.memref_slice %arg5[%dma_wait3A_13] : memref<80000xf32, #tpu.memory_space<hbm>> -> memref<80000xf32, #tpu.memory_space<hbm>>
    tpu.wait_indirect_dma semaphore(%arg15 : memref<!tpu.dma_semaphore, #tpu.memory_space<semaphore_mem>>) src(%dma_wait3A_14 : memref<80000xf32, #tpu.memory_space<hbm>>) dst(%arg14 : memref<128xf32, #tpu.memory_space<vmem>>)
    "tpu.region"() ({
      %run_scoped3A = tpu.sem_alloc : memref<!tpu.dma_semaphore, #tpu.memory_space<semaphore_mem>>
      %dma_start3A_47 = tpu.memref_slice %arg10[%mul3A_4] : memref<8192xf32, #tpu.memory_space<hbm>> -> memref<128xf32, #tpu.memory_space<hbm>>
      %dma_start3A_48 = tpu.memref_slice %arg10[%mul3A_4] : memref<8192xf32, #tpu.memory_space<hbm>> -> memref<128xf32, #tpu.memory_space<hbm>>
      tpu.enqueue_dma source(%arg14 : memref<128xf32, #tpu.memory_space<vmem>>) target(%dma_start3A_48 : memref<128xf32, #tpu.memory_space<hbm>>) target_semaphore(%run_scoped3A : memref<!tpu.dma_semaphore, #tpu.memory_space<semaphore_mem>>)
      %dma_wait3A_49 = tpu.memref_slice %arg10[%mul3A_4] : memref<8192xf32, #tpu.memory_space<hbm>> -> memref<128xf32, #tpu.memory_space<hbm>>
      %dma_wait3A_50 = tpu.memref_slice %arg10[%mul3A_4] : memref<8192xf32, #tpu.memory_space<hbm>> -> memref<128xf32, #tpu.memory_space<hbm>>
      tpu.wait_dma2 semaphore(%run_scoped3A : memref<!tpu.dma_semaphore, #tpu.memory_space<semaphore_mem>>) src(%arg14 : memref<128xf32, #tpu.memory_space<vmem>>) dst(%dma_wait3A_50 : memref<128xf32, #tpu.memory_space<hbm>>)
      tpu.yield
    }) : () -> ()
    %dma_start3A_15 = arith.constant 0 : i32
    %dma_start3A_16 = tpu.memref_slice %arg6[%dma_start3A_15] : memref<80000xf32, #tpu.memory_space<hbm>> -> memref<80000xf32, #tpu.memory_space<hbm>>
    tpu.enqueue_indirect_dma source(%dma_start3A_16 : memref<80000xf32, #tpu.memory_space<hbm>>) target(%arg14 : memref<128xf32, #tpu.memory_space<vmem>>) offsets(%arg13 : memref<128xi32, #tpu.memory_space<vmem>>) semaphore(%arg15 : memref<!tpu.dma_semaphore, #tpu.memory_space<semaphore_mem>>)
    %dma_wait3A_17 = arith.constant 0 : i32
    %dma_wait3A_18 = tpu.memref_slice %arg6[%dma_wait3A_17] : memref<80000xf32, #tpu.memory_space<hbm>> -> memref<80000xf32, #tpu.memory_space<hbm>>
    tpu.wait_indirect_dma semaphore(%arg15 : memref<!tpu.dma_semaphore, #tpu.memory_space<semaphore_mem>>) src(%dma_wait3A_18 : memref<80000xf32, #tpu.memory_space<hbm>>) dst(%arg14 : memref<128xf32, #tpu.memory_space<vmem>>)
    "tpu.region"() ({
      %run_scoped3A = tpu.sem_alloc : memref<!tpu.dma_semaphore, #tpu.memory_space<semaphore_mem>>
      %dma_start3A_47 = tpu.memref_slice %arg11[%mul3A_4] : memref<8192xf32, #tpu.memory_space<hbm>> -> memref<128xf32, #tpu.memory_space<hbm>>
      %dma_start3A_48 = tpu.memref_slice %arg11[%mul3A_4] : memref<8192xf32, #tpu.memory_space<hbm>> -> memref<128xf32, #tpu.memory_space<hbm>>
      tpu.enqueue_dma source(%arg14 : memref<128xf32, #tpu.memory_space<vmem>>) target(%dma_start3A_48 : memref<128xf32, #tpu.memory_space<hbm>>) target_semaphore(%run_scoped3A : memref<!tpu.dma_semaphore, #tpu.memory_space<semaphore_mem>>)
      %dma_wait3A_49 = tpu.memref_slice %arg11[%mul3A_4] : memref<8192xf32, #tpu.memory_space<hbm>> -> memref<128xf32, #tpu.memory_space<hbm>>
      %dma_wait3A_50 = tpu.memref_slice %arg11[%mul3A_4] : memref<8192xf32, #tpu.memory_space<hbm>> -> memref<128xf32, #tpu.memory_space<hbm>>
      tpu.wait_dma2 semaphore(%run_scoped3A : memref<!tpu.dma_semaphore, #tpu.memory_space<semaphore_mem>>) src(%arg14 : memref<128xf32, #tpu.memory_space<vmem>>) dst(%dma_wait3A_50 : memref<128xf32, #tpu.memory_space<hbm>>)
      tpu.yield
    }) : () -> ()
    %dma_start3A_19 = arith.constant 0 : i32
    %dma_start3A_20 = tpu.memref_slice %arg7[%dma_start3A_19] : memref<80000xf32, #tpu.memory_space<hbm>> -> memref<80000xf32, #tpu.memory_space<hbm>>
    tpu.enqueue_indirect_dma source(%dma_start3A_20 : memref<80000xf32, #tpu.memory_space<hbm>>) target(%arg14 : memref<128xf32, #tpu.memory_space<vmem>>) offsets(%arg13 : memref<128xi32, #tpu.memory_space<vmem>>) semaphore(%arg15 : memref<!tpu.dma_semaphore, #tpu.memory_space<semaphore_mem>>)
    %dma_wait3A_21 = arith.constant 0 : i32
    %dma_wait3A_22 = tpu.memref_slice %arg7[%dma_wait3A_21] : memref<80000xf32, #tpu.memory_space<hbm>> -> memref<80000xf32, #tpu.memory_space<hbm>>
    tpu.wait_indirect_dma semaphore(%arg15 : memref<!tpu.dma_semaphore, #tpu.memory_space<semaphore_mem>>) src(%dma_wait3A_22 : memref<80000xf32, #tpu.memory_space<hbm>>) dst(%arg14 : memref<128xf32, #tpu.memory_space<vmem>>)
    "tpu.region"() ({
      %run_scoped3A = tpu.sem_alloc : memref<!tpu.dma_semaphore, #tpu.memory_space<semaphore_mem>>
      %dma_start3A_47 = tpu.memref_slice %arg12[%mul3A_4] : memref<8192xf32, #tpu.memory_space<hbm>> -> memref<128xf32, #tpu.memory_space<hbm>>
      %dma_start3A_48 = tpu.memref_slice %arg12[%mul3A_4] : memref<8192xf32, #tpu.memory_space<hbm>> -> memref<128xf32, #tpu.memory_space<hbm>>
      tpu.enqueue_dma source(%arg14 : memref<128xf32, #tpu.memory_space<vmem>>) target(%dma_start3A_48 : memref<128xf32, #tpu.memory_space<hbm>>) target_semaphore(%run_scoped3A : memref<!tpu.dma_semaphore, #tpu.memory_space<semaphore_mem>>)
      %dma_wait3A_49 = tpu.memref_slice %arg12[%mul3A_4] : memref<8192xf32, #tpu.memory_space<hbm>> -> memref<128xf32, #tpu.memory_space<hbm>>
      %dma_wait3A_50 = tpu.memref_slice %arg12[%mul3A_4] : memref<8192xf32, #tpu.memory_space<hbm>> -> memref<128xf32, #tpu.memory_space<hbm>>
      tpu.wait_dma2 semaphore(%run_scoped3A : memref<!tpu.dma_semaphore, #tpu.memory_space<semaphore_mem>>) src(%arg14 : memref<128xf32, #tpu.memory_space<vmem>>) dst(%dma_wait3A_50 : memref<128xf32, #tpu.memory_space<hbm>>)
      tpu.yield
    }) : () -> ()
    %add3A_23 = arith.constant 32 : i32
    %add3A_24 = arith.addi %add3A_23, %add3A : i32
    %mul3A_25 = arith.constant 128 : i32
    %mul3A_26 = arith.muli %add3A_24, %mul3A_25 : i32
    "tpu.region"() ({
      %run_scoped3A = tpu.sem_alloc : memref<!tpu.dma_semaphore, #tpu.memory_space<semaphore_mem>>
      %dma_start3A_47 = tpu.memref_slice %arg2[%mul3A_26] : memref<8192xi32, #tpu.memory_space<hbm>> -> memref<128xi32, #tpu.memory_space<hbm>>
      %dma_start3A_48 = tpu.memref_slice %arg2[%mul3A_26] : memref<8192xi32, #tpu.memory_space<hbm>> -> memref<128xi32, #tpu.memory_space<hbm>>
      tpu.enqueue_dma source(%dma_start3A_48 : memref<128xi32, #tpu.memory_space<hbm>>) target(%arg13 : memref<128xi32, #tpu.memory_space<vmem>>) target_semaphore(%run_scoped3A : memref<!tpu.dma_semaphore, #tpu.memory_space<semaphore_mem>>)
      %dma_wait3A_49 = tpu.memref_slice %arg2[%mul3A_26] : memref<8192xi32, #tpu.memory_space<hbm>> -> memref<128xi32, #tpu.memory_space<hbm>>
      %dma_wait3A_50 = tpu.memref_slice %arg2[%mul3A_26] : memref<8192xi32, #tpu.memory_space<hbm>> -> memref<128xi32, #tpu.memory_space<hbm>>
      tpu.wait_dma2 semaphore(%run_scoped3A : memref<!tpu.dma_semaphore, #tpu.memory_space<semaphore_mem>>) src(%dma_wait3A_50 : memref<128xi32, #tpu.memory_space<hbm>>) dst(%arg13 : memref<128xi32, #tpu.memory_space<vmem>>)
      tpu.yield
    }) : () -> ()
    %dma_start3A_27 = arith.constant 0 : i32
    %dma_start3A_28 = tpu.memref_slice %arg3[%dma_start3A_27] : memref<80000xf32, #tpu.memory_space<hbm>> -> memref<80000xf32, #tpu.memory_space<hbm>>
    tpu.enqueue_indirect_dma source(%dma_start3A_28 : memref<80000xf32, #tpu.memory_space<hbm>>) target(%arg14 : memref<128xf32, #tpu.memory_space<vmem>>) offsets(%arg13 : memref<128xi32, #tpu.memory_space<vmem>>) semaphore(%arg15 : memref<!tpu.dma_semaphore, #tpu.memory_space<semaphore_mem>>)
    %dma_wait3A_29 = arith.constant 0 : i32
    %dma_wait3A_30 = tpu.memref_slice %arg3[%dma_wait3A_29] : memref<80000xf32, #tpu.memory_space<hbm>> -> memref<80000xf32, #tpu.memory_space<hbm>>
    tpu.wait_indirect_dma semaphore(%arg15 : memref<!tpu.dma_semaphore, #tpu.memory_space<semaphore_mem>>) src(%dma_wait3A_30 : memref<80000xf32, #tpu.memory_space<hbm>>) dst(%arg14 : memref<128xf32, #tpu.memory_space<vmem>>)
    "tpu.region"() ({
      %run_scoped3A = tpu.sem_alloc : memref<!tpu.dma_semaphore, #tpu.memory_space<semaphore_mem>>
      %dma_start3A_47 = tpu.memref_slice %arg8[%mul3A_26] : memref<8192xf32, #tpu.memory_space<hbm>> -> memref<128xf32, #tpu.memory_space<hbm>>
      %dma_start3A_48 = tpu.memref_slice %arg8[%mul3A_26] : memref<8192xf32, #tpu.memory_space<hbm>> -> memref<128xf32, #tpu.memory_space<hbm>>
      tpu.enqueue_dma source(%arg14 : memref<128xf32, #tpu.memory_space<vmem>>) target(%dma_start3A_48 : memref<128xf32, #tpu.memory_space<hbm>>) target_semaphore(%run_scoped3A : memref<!tpu.dma_semaphore, #tpu.memory_space<semaphore_mem>>)
      %dma_wait3A_49 = tpu.memref_slice %arg8[%mul3A_26] : memref<8192xf32, #tpu.memory_space<hbm>> -> memref<128xf32, #tpu.memory_space<hbm>>
      %dma_wait3A_50 = tpu.memref_slice %arg8[%mul3A_26] : memref<8192xf32, #tpu.memory_space<hbm>> -> memref<128xf32, #tpu.memory_space<hbm>>
      tpu.wait_dma2 semaphore(%run_scoped3A : memref<!tpu.dma_semaphore, #tpu.memory_space<semaphore_mem>>) src(%arg14 : memref<128xf32, #tpu.memory_space<vmem>>) dst(%dma_wait3A_50 : memref<128xf32, #tpu.memory_space<hbm>>)
      tpu.yield
    }) : () -> ()
    %dma_start3A_31 = arith.constant 0 : i32
    %dma_start3A_32 = tpu.memref_slice %arg4[%dma_start3A_31] : memref<80000xf32, #tpu.memory_space<hbm>> -> memref<80000xf32, #tpu.memory_space<hbm>>
    tpu.enqueue_indirect_dma source(%dma_start3A_32 : memref<80000xf32, #tpu.memory_space<hbm>>) target(%arg14 : memref<128xf32, #tpu.memory_space<vmem>>) offsets(%arg13 : memref<128xi32, #tpu.memory_space<vmem>>) semaphore(%arg15 : memref<!tpu.dma_semaphore, #tpu.memory_space<semaphore_mem>>)
    %dma_wait3A_33 = arith.constant 0 : i32
    %dma_wait3A_34 = tpu.memref_slice %arg4[%dma_wait3A_33] : memref<80000xf32, #tpu.memory_space<hbm>> -> memref<80000xf32, #tpu.memory_space<hbm>>
    tpu.wait_indirect_dma semaphore(%arg15 : memref<!tpu.dma_semaphore, #tpu.memory_space<semaphore_mem>>) src(%dma_wait3A_34 : memref<80000xf32, #tpu.memory_space<hbm>>) dst(%arg14 : memref<128xf32, #tpu.memory_space<vmem>>)
    "tpu.region"() ({
      %run_scoped3A = tpu.sem_alloc : memref<!tpu.dma_semaphore, #tpu.memory_space<semaphore_mem>>
      %dma_start3A_47 = tpu.memref_slice %arg9[%mul3A_26] : memref<8192xf32, #tpu.memory_space<hbm>> -> memref<128xf32, #tpu.memory_space<hbm>>
      %dma_start3A_48 = tpu.memref_slice %arg9[%mul3A_26] : memref<8192xf32, #tpu.memory_space<hbm>> -> memref<128xf32, #tpu.memory_space<hbm>>
      tpu.enqueue_dma source(%arg14 : memref<128xf32, #tpu.memory_space<vmem>>) target(%dma_start3A_48 : memref<128xf32, #tpu.memory_space<hbm>>) target_semaphore(%run_scoped3A : memref<!tpu.dma_semaphore, #tpu.memory_space<semaphore_mem>>)
      %dma_wait3A_49 = tpu.memref_slice %arg9[%mul3A_26] : memref<8192xf32, #tpu.memory_space<hbm>> -> memref<128xf32, #tpu.memory_space<hbm>>
      %dma_wait3A_50 = tpu.memref_slice %arg9[%mul3A_26] : memref<8192xf32, #tpu.memory_space<hbm>> -> memref<128xf32, #tpu.memory_space<hbm>>
      tpu.wait_dma2 semaphore(%run_scoped3A : memref<!tpu.dma_semaphore, #tpu.memory_space<semaphore_mem>>) src(%arg14 : memref<128xf32, #tpu.memory_space<vmem>>) dst(%dma_wait3A_50 : memref<128xf32, #tpu.memory_space<hbm>>)
      tpu.yield
    }) : () -> ()
    %dma_start3A_35 = arith.constant 0 : i32
    %dma_start3A_36 = tpu.memref_slice %arg5[%dma_start3A_35] : memref<80000xf32, #tpu.memory_space<hbm>> -> memref<80000xf32, #tpu.memory_space<hbm>>
    tpu.enqueue_indirect_dma source(%dma_start3A_36 : memref<80000xf32, #tpu.memory_space<hbm>>) target(%arg14 : memref<128xf32, #tpu.memory_space<vmem>>) offsets(%arg13 : memref<128xi32, #tpu.memory_space<vmem>>) semaphore(%arg15 : memref<!tpu.dma_semaphore, #tpu.memory_space<semaphore_mem>>)
    %dma_wait3A_37 = arith.constant 0 : i32
    %dma_wait3A_38 = tpu.memref_slice %arg5[%dma_wait3A_37] : memref<80000xf32, #tpu.memory_space<hbm>> -> memref<80000xf32, #tpu.memory_space<hbm>>
    tpu.wait_indirect_dma semaphore(%arg15 : memref<!tpu.dma_semaphore, #tpu.memory_space<semaphore_mem>>) src(%dma_wait3A_38 : memref<80000xf32, #tpu.memory_space<hbm>>) dst(%arg14 : memref<128xf32, #tpu.memory_space<vmem>>)
    "tpu.region"() ({
      %run_scoped3A = tpu.sem_alloc : memref<!tpu.dma_semaphore, #tpu.memory_space<semaphore_mem>>
      %dma_start3A_47 = tpu.memref_slice %arg10[%mul3A_26] : memref<8192xf32, #tpu.memory_space<hbm>> -> memref<128xf32, #tpu.memory_space<hbm>>
      %dma_start3A_48 = tpu.memref_slice %arg10[%mul3A_26] : memref<8192xf32, #tpu.memory_space<hbm>> -> memref<128xf32, #tpu.memory_space<hbm>>
      tpu.enqueue_dma source(%arg14 : memref<128xf32, #tpu.memory_space<vmem>>) target(%dma_start3A_48 : memref<128xf32, #tpu.memory_space<hbm>>) target_semaphore(%run_scoped3A : memref<!tpu.dma_semaphore, #tpu.memory_space<semaphore_mem>>)
      %dma_wait3A_49 = tpu.memref_slice %arg10[%mul3A_26] : memref<8192xf32, #tpu.memory_space<hbm>> -> memref<128xf32, #tpu.memory_space<hbm>>
      %dma_wait3A_50 = tpu.memref_slice %arg10[%mul3A_26] : memref<8192xf32, #tpu.memory_space<hbm>> -> memref<128xf32, #tpu.memory_space<hbm>>
      tpu.wait_dma2 semaphore(%run_scoped3A : memref<!tpu.dma_semaphore, #tpu.memory_space<semaphore_mem>>) src(%arg14 : memref<128xf32, #tpu.memory_space<vmem>>) dst(%dma_wait3A_50 : memref<128xf32, #tpu.memory_space<hbm>>)
      tpu.yield
    }) : () -> ()
    %dma_start3A_39 = arith.constant 0 : i32
    %dma_start3A_40 = tpu.memref_slice %arg6[%dma_start3A_39] : memref<80000xf32, #tpu.memory_space<hbm>> -> memref<80000xf32, #tpu.memory_space<hbm>>
    tpu.enqueue_indirect_dma source(%dma_start3A_40 : memref<80000xf32, #tpu.memory_space<hbm>>) target(%arg14 : memref<128xf32, #tpu.memory_space<vmem>>) offsets(%arg13 : memref<128xi32, #tpu.memory_space<vmem>>) semaphore(%arg15 : memref<!tpu.dma_semaphore, #tpu.memory_space<semaphore_mem>>)
    %dma_wait3A_41 = arith.constant 0 : i32
    %dma_wait3A_42 = tpu.memref_slice %arg6[%dma_wait3A_41] : memref<80000xf32, #tpu.memory_space<hbm>> -> memref<80000xf32, #tpu.memory_space<hbm>>
    tpu.wait_indirect_dma semaphore(%arg15 : memref<!tpu.dma_semaphore, #tpu.memory_space<semaphore_mem>>) src(%dma_wait3A_42 : memref<80000xf32, #tpu.memory_space<hbm>>) dst(%arg14 : memref<128xf32, #tpu.memory_space<vmem>>)
    "tpu.region"() ({
      %run_scoped3A = tpu.sem_alloc : memref<!tpu.dma_semaphore, #tpu.memory_space<semaphore_mem>>
      %dma_start3A_47 = tpu.memref_slice %arg11[%mul3A_26] : memref<8192xf32, #tpu.memory_space<hbm>> -> memref<128xf32, #tpu.memory_space<hbm>>
      %dma_start3A_48 = tpu.memref_slice %arg11[%mul3A_26] : memref<8192xf32, #tpu.memory_space<hbm>> -> memref<128xf32, #tpu.memory_space<hbm>>
      tpu.enqueue_dma source(%arg14 : memref<128xf32, #tpu.memory_space<vmem>>) target(%dma_start3A_48 : memref<128xf32, #tpu.memory_space<hbm>>) target_semaphore(%run_scoped3A : memref<!tpu.dma_semaphore, #tpu.memory_space<semaphore_mem>>)
      %dma_wait3A_49 = tpu.memref_slice %arg11[%mul3A_26] : memref<8192xf32, #tpu.memory_space<hbm>> -> memref<128xf32, #tpu.memory_space<hbm>>
      %dma_wait3A_50 = tpu.memref_slice %arg11[%mul3A_26] : memref<8192xf32, #tpu.memory_space<hbm>> -> memref<128xf32, #tpu.memory_space<hbm>>
      tpu.wait_dma2 semaphore(%run_scoped3A : memref<!tpu.dma_semaphore, #tpu.memory_space<semaphore_mem>>) src(%arg14 : memref<128xf32, #tpu.memory_space<vmem>>) dst(%dma_wait3A_50 : memref<128xf32, #tpu.memory_space<hbm>>)
      tpu.yield
    }) : () -> ()
    %dma_start3A_43 = arith.constant 0 : i32
    %dma_start3A_44 = tpu.memref_slice %arg7[%dma_start3A_43] : memref<80000xf32, #tpu.memory_space<hbm>> -> memref<80000xf32, #tpu.memory_space<hbm>>
    tpu.enqueue_indirect_dma source(%dma_start3A_44 : memref<80000xf32, #tpu.memory_space<hbm>>) target(%arg14 : memref<128xf32, #tpu.memory_space<vmem>>) offsets(%arg13 : memref<128xi32, #tpu.memory_space<vmem>>) semaphore(%arg15 : memref<!tpu.dma_semaphore, #tpu.memory_space<semaphore_mem>>)
    %dma_wait3A_45 = arith.constant 0 : i32
    %dma_wait3A_46 = tpu.memref_slice %arg7[%dma_wait3A_45] : memref<80000xf32, #tpu.memory_space<hbm>> -> memref<80000xf32, #tpu.memory_space<hbm>>
    tpu.wait_indirect_dma semaphore(%arg15 : memref<!tpu.dma_semaphore, #tpu.memory_space<semaphore_mem>>) src(%dma_wait3A_46 : memref<80000xf32, #tpu.memory_space<hbm>>) dst(%arg14 : memref<128xf32, #tpu.memory_space<vmem>>)
    "tpu.region"() ({
      %run_scoped3A = tpu.sem_alloc : memref<!tpu.dma_semaphore, #tpu.memory_space<semaphore_mem>>
      %dma_start3A_47 = tpu.memref_slice %arg12[%mul3A_26] : memref<8192xf32, #tpu.memory_space<hbm>> -> memref<128xf32, #tpu.memory_space<hbm>>
      %dma_start3A_48 = tpu.memref_slice %arg12[%mul3A_26] : memref<8192xf32, #tpu.memory_space<hbm>> -> memref<128xf32, #tpu.memory_space<hbm>>
      tpu.enqueue_dma source(%arg14 : memref<128xf32, #tpu.memory_space<vmem>>) target(%dma_start3A_48 : memref<128xf32, #tpu.memory_space<hbm>>) target_semaphore(%run_scoped3A : memref<!tpu.dma_semaphore, #tpu.memory_space<semaphore_mem>>)
      %dma_wait3A_49 = tpu.memref_slice %arg12[%mul3A_26] : memref<8192xf32, #tpu.memory_space<hbm>> -> memref<128xf32, #tpu.memory_space<hbm>>
      %dma_wait3A_50 = tpu.memref_slice %arg12[%mul3A_26] : memref<8192xf32, #tpu.memory_space<hbm>> -> memref<128xf32, #tpu.memory_space<hbm>>
      tpu.wait_dma2 semaphore(%run_scoped3A : memref<!tpu.dma_semaphore, #tpu.memory_space<semaphore_mem>>) src(%arg14 : memref<128xf32, #tpu.memory_space<vmem>>) dst(%dma_wait3A_50 : memref<128xf32, #tpu.memory_space<hbm>>)
      tpu.yield
    }) : () -> ()
    return
  }
}

module attributes {stable_mosaic.version = 14 : i64} {
  func.func @_sort_body(%arg0: memref<1024x128xf32, #tpu.memory_space<vmem>>, %arg1: memref<64x128xf32, #tpu.memory_space<vmem>>, %arg2: memref<64x128xi32, #tpu.memory_space<vmem>>) attributes {dimension_semantics = [], scalar_prefetch = 0 : i64, scratch_operands = 0 : i64, tpu.core_type = #tpu.core_type<tc>} {
    %get3A = arith.constant 0 : index
    %get3A_0 = arith.constant 0 : index
    %get3A_1 = vector.load %arg0[%get3A, %get3A_0] : memref<1024x128xf32, #tpu.memory_space<vmem>>, vector<1024x128xf32>
    %iota3A = tpu.iota {dimensions = array<i32: 0>} : vector<1024x128xi32>
    %iota3A_2 = tpu.iota {dimensions = array<i32: 1>} : vector<1024x128xi32>
    %jit3A = arith.constant 256 : i32
    %eq3A = arith.constant 0 : i32
    %eq3A_3 = arith.cmpi eq, %jit3A, %eq3A : i32
    %jit3A_4 = arith.constant 1 : i32
    %select_n3A = arith.select %eq3A_3, %jit3A_4, %jit3A : i32
    %rem3A = vector.broadcast %select_n3A : i32 to vector<1024x128xi32>
    %rem3A_5 = arith.remsi %iota3A, %rem3A : vector<1024x128xi32>
    %ne3A = arith.constant 0 : i32
    %ne3A_6 = vector.broadcast %ne3A : i32 to vector<1024x128xi32>
    %ne3A_7 = arith.cmpi ne, %rem3A_5, %ne3A_6 : vector<1024x128xi32>
    %lt3A = arith.constant 0 : i32
    %lt3A_8 = vector.broadcast %lt3A : i32 to vector<1024x128xi32>
    %lt3A_9 = arith.cmpi slt, %rem3A_5, %lt3A_8 : vector<1024x128xi32>
    %lt3A_10 = arith.constant 0 : i32
    %lt3A_11 = arith.cmpi slt, %select_n3A, %lt3A_10 : i32
    %ne3A_12 = vector.broadcast %lt3A_11 : i1 to vector<1024x128xi1>
    %ne3A_13 = vector.broadcast %ne3A_12 : vector<1024x128xi1> to vector<1024x128xi1>
    %ne3A_14 = arith.xori %lt3A_9, %ne3A_13 : vector<1024x128xi1>
    %and3A = arith.andi %ne3A_14, %ne3A_7 : vector<1024x128xi1>
    %add3A = vector.broadcast %select_n3A : i32 to vector<1024x128xi32>
    %add3A_15 = arith.addi %rem3A_5, %add3A : vector<1024x128xi32>
    %select_n3A_16 = arith.select %and3A, %add3A_15, %rem3A_5 : vector<1024x128xi1>, vector<1024x128xi32>
    %mul3A = arith.constant 128 : i32
    %mul3A_17 = vector.broadcast %mul3A : i32 to vector<1024x128xi32>
    %mul3A_18 = arith.muli %select_n3A_16, %mul3A_17 : vector<1024x128xi32>
    %add3A_19 = arith.addi %mul3A_18, %iota3A_2 : vector<1024x128xi32>
    %and3A_20 = arith.constant 2 : i32
    %and3A_21 = vector.broadcast %and3A_20 : i32 to vector<1024x128xi32>
    %and3A_22 = arith.andi %add3A_19, %and3A_21 : vector<1024x128xi32>
    %eq3A_23 = arith.constant 0 : i32
    %eq3A_24 = vector.broadcast %eq3A_23 : i32 to vector<1024x128xi32>
    %eq3A_25 = arith.cmpi eq, %and3A_22, %eq3A_24 : vector<1024x128xi32>
    %scan3A = arith.constant 0 : i32
    %sub3A = arith.constant 0 : i32
    %sub3A_26 = arith.subi %sub3A, %scan3A : i32
    %shift_left3A = arith.constant 1 : i32
    %shift_left3A_27 = arith.shli %shift_left3A, %sub3A_26 : i32
    %and3A_28 = vector.broadcast %shift_left3A_27 : i32 to vector<1024x128xi32>
    %and3A_29 = arith.andi %add3A_19, %and3A_28 : vector<1024x128xi32>
    %eq3A_30 = arith.constant 0 : i32
    %eq3A_31 = vector.broadcast %eq3A_30 : i32 to vector<1024x128xi32>
    %eq3A_32 = arith.cmpi eq, %and3A_29, %eq3A_31 : vector<1024x128xi32>
    %sub3A_33 = arith.constant 128 : i32
    %sub3A_34 = arith.subi %sub3A_33, %shift_left3A_27 : i32
    %roll3A = tpu.dynamic_rotate %get3A_1 by %sub3A_34 dim 1 : vector<1024x128xf32>, i32 -> vector<1024x128xf32>
    %roll3A_35 = tpu.dynamic_rotate %get3A_1 by %shift_left3A_27 dim 1 : vector<1024x128xf32>, i32 -> vector<1024x128xf32>
    %sub3A_36 = arith.constant 128 : i32
    %sub3A_37 = arith.subi %sub3A_36, %shift_left3A_27 : i32
    %roll3A_38 = tpu.dynamic_rotate %add3A_19 by %sub3A_37 dim 1 : vector<1024x128xi32>, i32 -> vector<1024x128xi32>
    %roll3A_39 = tpu.dynamic_rotate %add3A_19 by %shift_left3A_27 dim 1 : vector<1024x128xi32>, i32 -> vector<1024x128xi32>
    %select_n3A_40 = arith.select %eq3A_32, %roll3A, %roll3A_35 : vector<1024x128xi1>, vector<1024x128xf32>
    %select_n3A_41 = arith.select %eq3A_32, %roll3A_38, %roll3A_39 : vector<1024x128xi1>, vector<1024x128xi32>
    %eq3A_42 = arith.xori %eq3A_32, %eq3A_25 : vector<1024x128xi1>
    %eq3A_43 = arith.constant dense<true> : vector<1024x128xi1>
    %eq3A_44 = arith.xori %eq3A_42, %eq3A_43 : vector<1024x128xi1>
    %gt3A = arith.cmpf ogt, %get3A_1, %select_n3A_40 : vector<1024x128xf32>
    %eq3A_45 = arith.cmpf oeq, %get3A_1, %select_n3A_40 : vector<1024x128xf32>
    %lt3A_46 = arith.cmpi slt, %add3A_19, %select_n3A_41 : vector<1024x128xi32>
    %and3A_47 = arith.andi %eq3A_45, %lt3A_46 : vector<1024x128xi1>
    %or3A = arith.ori %gt3A, %and3A_47 : vector<1024x128xi1>
    %eq3A_48 = arith.xori %or3A, %eq3A_44 : vector<1024x128xi1>
    %eq3A_49 = arith.constant dense<true> : vector<1024x128xi1>
    %eq3A_50 = arith.xori %eq3A_48, %eq3A_49 : vector<1024x128xi1>
    %select_n3A_51 = arith.select %eq3A_50, %get3A_1, %select_n3A_40 : vector<1024x128xi1>, vector<1024x128xf32>
    %select_n3A_52 = arith.select %eq3A_50, %add3A_19, %select_n3A_41 : vector<1024x128xi1>, vector<1024x128xi32>
    %scan3A_53 = arith.constant 1 : i32
    %and3A_54 = arith.constant 4 : i32
    %and3A_55 = vector.broadcast %and3A_54 : i32 to vector<1024x128xi32>
    %and3A_56 = arith.andi %add3A_19, %and3A_55 : vector<1024x128xi32>
    %eq3A_57 = arith.constant 0 : i32
    %eq3A_58 = vector.broadcast %eq3A_57 : i32 to vector<1024x128xi32>
    %eq3A_59 = arith.cmpi eq, %and3A_56, %eq3A_58 : vector<1024x128xi32>
    %scan3A_60 = arith.constant 0 : i32
    %scan3A_61 = arith.constant 2 : i32
    %scan3A_62 = arith.addi %scan3A_60, %scan3A_61 : i32
    %scan3A_63 = arith.constant 1 : i32
    %scan3A_64:2 = scf.for %scan3A_325 = %scan3A_60 to %scan3A_62 step %scan3A_63 iter_args(%scan3A_326 = %select_n3A_51, %scan3A_327 = %select_n3A_52) -> (vector<1024x128xf32>, vector<1024x128xi32>)  : i32 {
      %sub3A_328 = arith.constant 1 : i32
      %sub3A_329 = arith.subi %sub3A_328, %scan3A_325 : i32
      %shift_left3A_330 = arith.constant 1 : i32
      %shift_left3A_331 = arith.shli %shift_left3A_330, %sub3A_329 : i32
      %and3A_332 = vector.broadcast %shift_left3A_331 : i32 to vector<1024x128xi32>
      %and3A_333 = arith.andi %add3A_19, %and3A_332 : vector<1024x128xi32>
      %eq3A_334 = arith.constant 0 : i32
      %eq3A_335 = vector.broadcast %eq3A_334 : i32 to vector<1024x128xi32>
      %eq3A_336 = arith.cmpi eq, %and3A_333, %eq3A_335 : vector<1024x128xi32>
      %sub3A_337 = arith.constant 128 : i32
      %sub3A_338 = arith.subi %sub3A_337, %shift_left3A_331 : i32
      %roll3A_339 = tpu.dynamic_rotate %scan3A_326 by %sub3A_338 dim 1 : vector<1024x128xf32>, i32 -> vector<1024x128xf32>
      %roll3A_340 = tpu.dynamic_rotate %scan3A_326 by %shift_left3A_331 dim 1 : vector<1024x128xf32>, i32 -> vector<1024x128xf32>
      %sub3A_341 = arith.constant 128 : i32
      %sub3A_342 = arith.subi %sub3A_341, %shift_left3A_331 : i32
      %roll3A_343 = tpu.dynamic_rotate %scan3A_327 by %sub3A_342 dim 1 : vector<1024x128xi32>, i32 -> vector<1024x128xi32>
      %roll3A_344 = tpu.dynamic_rotate %scan3A_327 by %shift_left3A_331 dim 1 : vector<1024x128xi32>, i32 -> vector<1024x128xi32>
      %select_n3A_345 = arith.select %eq3A_336, %roll3A_339, %roll3A_340 : vector<1024x128xi1>, vector<1024x128xf32>
      %select_n3A_346 = arith.select %eq3A_336, %roll3A_343, %roll3A_344 : vector<1024x128xi1>, vector<1024x128xi32>
      %eq3A_347 = arith.xori %eq3A_336, %eq3A_59 : vector<1024x128xi1>
      %eq3A_348 = arith.constant dense<true> : vector<1024x128xi1>
      %eq3A_349 = arith.xori %eq3A_347, %eq3A_348 : vector<1024x128xi1>
      %gt3A_350 = arith.cmpf ogt, %scan3A_326, %select_n3A_345 : vector<1024x128xf32>
      %eq3A_351 = arith.cmpf oeq, %scan3A_326, %select_n3A_345 : vector<1024x128xf32>
      %lt3A_352 = arith.cmpi slt, %scan3A_327, %select_n3A_346 : vector<1024x128xi32>
      %and3A_353 = arith.andi %eq3A_351, %lt3A_352 : vector<1024x128xi1>
      %or3A_354 = arith.ori %gt3A_350, %and3A_353 : vector<1024x128xi1>
      %eq3A_355 = arith.xori %or3A_354, %eq3A_349 : vector<1024x128xi1>
      %eq3A_356 = arith.constant dense<true> : vector<1024x128xi1>
      %eq3A_357 = arith.xori %eq3A_355, %eq3A_356 : vector<1024x128xi1>
      %select_n3A_358 = arith.select %eq3A_357, %scan3A_326, %select_n3A_345 : vector<1024x128xi1>, vector<1024x128xf32>
      %select_n3A_359 = arith.select %eq3A_357, %scan3A_327, %select_n3A_346 : vector<1024x128xi1>, vector<1024x128xi32>
      scf.yield %select_n3A_358, %select_n3A_359 : vector<1024x128xf32>, vector<1024x128xi32>
    }
    %scan3A_65 = arith.constant 2 : i32
    %and3A_66 = arith.constant 8 : i32
    %and3A_67 = vector.broadcast %and3A_66 : i32 to vector<1024x128xi32>
    %and3A_68 = arith.andi %add3A_19, %and3A_67 : vector<1024x128xi32>
    %eq3A_69 = arith.constant 0 : i32
    %eq3A_70 = vector.broadcast %eq3A_69 : i32 to vector<1024x128xi32>
    %eq3A_71 = arith.cmpi eq, %and3A_68, %eq3A_70 : vector<1024x128xi32>
    %scan3A_72 = arith.constant 0 : i32
    %scan3A_73 = arith.constant 3 : i32
    %scan3A_74 = arith.addi %scan3A_72, %scan3A_73 : i32
    %scan3A_75 = arith.constant 1 : i32
    %scan3A_76:2 = scf.for %scan3A_325 = %scan3A_72 to %scan3A_74 step %scan3A_75 iter_args(%scan3A_326 = %scan3A_64#0, %scan3A_327 = %scan3A_64#1) -> (vector<1024x128xf32>, vector<1024x128xi32>)  : i32 {
      %sub3A_328 = arith.constant 2 : i32
      %sub3A_329 = arith.subi %sub3A_328, %scan3A_325 : i32
      %shift_left3A_330 = arith.constant 1 : i32
      %shift_left3A_331 = arith.shli %shift_left3A_330, %sub3A_329 : i32
      %and3A_332 = vector.broadcast %shift_left3A_331 : i32 to vector<1024x128xi32>
      %and3A_333 = arith.andi %add3A_19, %and3A_332 : vector<1024x128xi32>
      %eq3A_334 = arith.constant 0 : i32
      %eq3A_335 = vector.broadcast %eq3A_334 : i32 to vector<1024x128xi32>
      %eq3A_336 = arith.cmpi eq, %and3A_333, %eq3A_335 : vector<1024x128xi32>
      %sub3A_337 = arith.constant 128 : i32
      %sub3A_338 = arith.subi %sub3A_337, %shift_left3A_331 : i32
      %roll3A_339 = tpu.dynamic_rotate %scan3A_326 by %sub3A_338 dim 1 : vector<1024x128xf32>, i32 -> vector<1024x128xf32>
      %roll3A_340 = tpu.dynamic_rotate %scan3A_326 by %shift_left3A_331 dim 1 : vector<1024x128xf32>, i32 -> vector<1024x128xf32>
      %sub3A_341 = arith.constant 128 : i32
      %sub3A_342 = arith.subi %sub3A_341, %shift_left3A_331 : i32
      %roll3A_343 = tpu.dynamic_rotate %scan3A_327 by %sub3A_342 dim 1 : vector<1024x128xi32>, i32 -> vector<1024x128xi32>
      %roll3A_344 = tpu.dynamic_rotate %scan3A_327 by %shift_left3A_331 dim 1 : vector<1024x128xi32>, i32 -> vector<1024x128xi32>
      %select_n3A_345 = arith.select %eq3A_336, %roll3A_339, %roll3A_340 : vector<1024x128xi1>, vector<1024x128xf32>
      %select_n3A_346 = arith.select %eq3A_336, %roll3A_343, %roll3A_344 : vector<1024x128xi1>, vector<1024x128xi32>
      %eq3A_347 = arith.xori %eq3A_336, %eq3A_71 : vector<1024x128xi1>
      %eq3A_348 = arith.constant dense<true> : vector<1024x128xi1>
      %eq3A_349 = arith.xori %eq3A_347, %eq3A_348 : vector<1024x128xi1>
      %gt3A_350 = arith.cmpf ogt, %scan3A_326, %select_n3A_345 : vector<1024x128xf32>
      %eq3A_351 = arith.cmpf oeq, %scan3A_326, %select_n3A_345 : vector<1024x128xf32>
      %lt3A_352 = arith.cmpi slt, %scan3A_327, %select_n3A_346 : vector<1024x128xi32>
      %and3A_353 = arith.andi %eq3A_351, %lt3A_352 : vector<1024x128xi1>
      %or3A_354 = arith.ori %gt3A_350, %and3A_353 : vector<1024x128xi1>
      %eq3A_355 = arith.xori %or3A_354, %eq3A_349 : vector<1024x128xi1>
      %eq3A_356 = arith.constant dense<true> : vector<1024x128xi1>
      %eq3A_357 = arith.xori %eq3A_355, %eq3A_356 : vector<1024x128xi1>
      %select_n3A_358 = arith.select %eq3A_357, %scan3A_326, %select_n3A_345 : vector<1024x128xi1>, vector<1024x128xf32>
      %select_n3A_359 = arith.select %eq3A_357, %scan3A_327, %select_n3A_346 : vector<1024x128xi1>, vector<1024x128xi32>
      scf.yield %select_n3A_358, %select_n3A_359 : vector<1024x128xf32>, vector<1024x128xi32>
    }
    %scan3A_77 = arith.constant 3 : i32
    %and3A_78 = arith.constant 16 : i32
    %and3A_79 = vector.broadcast %and3A_78 : i32 to vector<1024x128xi32>
    %and3A_80 = arith.andi %add3A_19, %and3A_79 : vector<1024x128xi32>
    %eq3A_81 = arith.constant 0 : i32
    %eq3A_82 = vector.broadcast %eq3A_81 : i32 to vector<1024x128xi32>
    %eq3A_83 = arith.cmpi eq, %and3A_80, %eq3A_82 : vector<1024x128xi32>
    %scan3A_84 = arith.constant 0 : i32
    %scan3A_85 = arith.constant 4 : i32
    %scan3A_86 = arith.addi %scan3A_84, %scan3A_85 : i32
    %scan3A_87 = arith.constant 1 : i32
    %scan3A_88:2 = scf.for %scan3A_325 = %scan3A_84 to %scan3A_86 step %scan3A_87 iter_args(%scan3A_326 = %scan3A_76#0, %scan3A_327 = %scan3A_76#1) -> (vector<1024x128xf32>, vector<1024x128xi32>)  : i32 {
      %sub3A_328 = arith.constant 3 : i32
      %sub3A_329 = arith.subi %sub3A_328, %scan3A_325 : i32
      %shift_left3A_330 = arith.constant 1 : i32
      %shift_left3A_331 = arith.shli %shift_left3A_330, %sub3A_329 : i32
      %and3A_332 = vector.broadcast %shift_left3A_331 : i32 to vector<1024x128xi32>
      %and3A_333 = arith.andi %add3A_19, %and3A_332 : vector<1024x128xi32>
      %eq3A_334 = arith.constant 0 : i32
      %eq3A_335 = vector.broadcast %eq3A_334 : i32 to vector<1024x128xi32>
      %eq3A_336 = arith.cmpi eq, %and3A_333, %eq3A_335 : vector<1024x128xi32>
      %sub3A_337 = arith.constant 128 : i32
      %sub3A_338 = arith.subi %sub3A_337, %shift_left3A_331 : i32
      %roll3A_339 = tpu.dynamic_rotate %scan3A_326 by %sub3A_338 dim 1 : vector<1024x128xf32>, i32 -> vector<1024x128xf32>
      %roll3A_340 = tpu.dynamic_rotate %scan3A_326 by %shift_left3A_331 dim 1 : vector<1024x128xf32>, i32 -> vector<1024x128xf32>
      %sub3A_341 = arith.constant 128 : i32
      %sub3A_342 = arith.subi %sub3A_341, %shift_left3A_331 : i32
      %roll3A_343 = tpu.dynamic_rotate %scan3A_327 by %sub3A_342 dim 1 : vector<1024x128xi32>, i32 -> vector<1024x128xi32>
      %roll3A_344 = tpu.dynamic_rotate %scan3A_327 by %shift_left3A_331 dim 1 : vector<1024x128xi32>, i32 -> vector<1024x128xi32>
      %select_n3A_345 = arith.select %eq3A_336, %roll3A_339, %roll3A_340 : vector<1024x128xi1>, vector<1024x128xf32>
      %select_n3A_346 = arith.select %eq3A_336, %roll3A_343, %roll3A_344 : vector<1024x128xi1>, vector<1024x128xi32>
      %eq3A_347 = arith.xori %eq3A_336, %eq3A_83 : vector<1024x128xi1>
      %eq3A_348 = arith.constant dense<true> : vector<1024x128xi1>
      %eq3A_349 = arith.xori %eq3A_347, %eq3A_348 : vector<1024x128xi1>
      %gt3A_350 = arith.cmpf ogt, %scan3A_326, %select_n3A_345 : vector<1024x128xf32>
      %eq3A_351 = arith.cmpf oeq, %scan3A_326, %select_n3A_345 : vector<1024x128xf32>
      %lt3A_352 = arith.cmpi slt, %scan3A_327, %select_n3A_346 : vector<1024x128xi32>
      %and3A_353 = arith.andi %eq3A_351, %lt3A_352 : vector<1024x128xi1>
      %or3A_354 = arith.ori %gt3A_350, %and3A_353 : vector<1024x128xi1>
      %eq3A_355 = arith.xori %or3A_354, %eq3A_349 : vector<1024x128xi1>
      %eq3A_356 = arith.constant dense<true> : vector<1024x128xi1>
      %eq3A_357 = arith.xori %eq3A_355, %eq3A_356 : vector<1024x128xi1>
      %select_n3A_358 = arith.select %eq3A_357, %scan3A_326, %select_n3A_345 : vector<1024x128xi1>, vector<1024x128xf32>
      %select_n3A_359 = arith.select %eq3A_357, %scan3A_327, %select_n3A_346 : vector<1024x128xi1>, vector<1024x128xi32>
      scf.yield %select_n3A_358, %select_n3A_359 : vector<1024x128xf32>, vector<1024x128xi32>
    }
    %scan3A_89 = arith.constant 4 : i32
    %and3A_90 = arith.constant 32 : i32
    %and3A_91 = vector.broadcast %and3A_90 : i32 to vector<1024x128xi32>
    %and3A_92 = arith.andi %add3A_19, %and3A_91 : vector<1024x128xi32>
    %eq3A_93 = arith.constant 0 : i32
    %eq3A_94 = vector.broadcast %eq3A_93 : i32 to vector<1024x128xi32>
    %eq3A_95 = arith.cmpi eq, %and3A_92, %eq3A_94 : vector<1024x128xi32>
    %scan3A_96 = arith.constant 0 : i32
    %scan3A_97 = arith.constant 5 : i32
    %scan3A_98 = arith.addi %scan3A_96, %scan3A_97 : i32
    %scan3A_99 = arith.constant 1 : i32
    %scan3A_100:2 = scf.for %scan3A_325 = %scan3A_96 to %scan3A_98 step %scan3A_99 iter_args(%scan3A_326 = %scan3A_88#0, %scan3A_327 = %scan3A_88#1) -> (vector<1024x128xf32>, vector<1024x128xi32>)  : i32 {
      %sub3A_328 = arith.constant 4 : i32
      %sub3A_329 = arith.subi %sub3A_328, %scan3A_325 : i32
      %shift_left3A_330 = arith.constant 1 : i32
      %shift_left3A_331 = arith.shli %shift_left3A_330, %sub3A_329 : i32
      %and3A_332 = vector.broadcast %shift_left3A_331 : i32 to vector<1024x128xi32>
      %and3A_333 = arith.andi %add3A_19, %and3A_332 : vector<1024x128xi32>
      %eq3A_334 = arith.constant 0 : i32
      %eq3A_335 = vector.broadcast %eq3A_334 : i32 to vector<1024x128xi32>
      %eq3A_336 = arith.cmpi eq, %and3A_333, %eq3A_335 : vector<1024x128xi32>
      %sub3A_337 = arith.constant 128 : i32
      %sub3A_338 = arith.subi %sub3A_337, %shift_left3A_331 : i32
      %roll3A_339 = tpu.dynamic_rotate %scan3A_326 by %sub3A_338 dim 1 : vector<1024x128xf32>, i32 -> vector<1024x128xf32>
      %roll3A_340 = tpu.dynamic_rotate %scan3A_326 by %shift_left3A_331 dim 1 : vector<1024x128xf32>, i32 -> vector<1024x128xf32>
      %sub3A_341 = arith.constant 128 : i32
      %sub3A_342 = arith.subi %sub3A_341, %shift_left3A_331 : i32
      %roll3A_343 = tpu.dynamic_rotate %scan3A_327 by %sub3A_342 dim 1 : vector<1024x128xi32>, i32 -> vector<1024x128xi32>
      %roll3A_344 = tpu.dynamic_rotate %scan3A_327 by %shift_left3A_331 dim 1 : vector<1024x128xi32>, i32 -> vector<1024x128xi32>
      %select_n3A_345 = arith.select %eq3A_336, %roll3A_339, %roll3A_340 : vector<1024x128xi1>, vector<1024x128xf32>
      %select_n3A_346 = arith.select %eq3A_336, %roll3A_343, %roll3A_344 : vector<1024x128xi1>, vector<1024x128xi32>
      %eq3A_347 = arith.xori %eq3A_336, %eq3A_95 : vector<1024x128xi1>
      %eq3A_348 = arith.constant dense<true> : vector<1024x128xi1>
      %eq3A_349 = arith.xori %eq3A_347, %eq3A_348 : vector<1024x128xi1>
      %gt3A_350 = arith.cmpf ogt, %scan3A_326, %select_n3A_345 : vector<1024x128xf32>
      %eq3A_351 = arith.cmpf oeq, %scan3A_326, %select_n3A_345 : vector<1024x128xf32>
      %lt3A_352 = arith.cmpi slt, %scan3A_327, %select_n3A_346 : vector<1024x128xi32>
      %and3A_353 = arith.andi %eq3A_351, %lt3A_352 : vector<1024x128xi1>
      %or3A_354 = arith.ori %gt3A_350, %and3A_353 : vector<1024x128xi1>
      %eq3A_355 = arith.xori %or3A_354, %eq3A_349 : vector<1024x128xi1>
      %eq3A_356 = arith.constant dense<true> : vector<1024x128xi1>
      %eq3A_357 = arith.xori %eq3A_355, %eq3A_356 : vector<1024x128xi1>
      %select_n3A_358 = arith.select %eq3A_357, %scan3A_326, %select_n3A_345 : vector<1024x128xi1>, vector<1024x128xf32>
      %select_n3A_359 = arith.select %eq3A_357, %scan3A_327, %select_n3A_346 : vector<1024x128xi1>, vector<1024x128xi32>
      scf.yield %select_n3A_358, %select_n3A_359 : vector<1024x128xf32>, vector<1024x128xi32>
    }
    %scan3A_101 = arith.constant 5 : i32
    %and3A_102 = arith.constant 64 : i32
    %and3A_103 = vector.broadcast %and3A_102 : i32 to vector<1024x128xi32>
    %and3A_104 = arith.andi %add3A_19, %and3A_103 : vector<1024x128xi32>
    %eq3A_105 = arith.constant 0 : i32
    %eq3A_106 = vector.broadcast %eq3A_105 : i32 to vector<1024x128xi32>
    %eq3A_107 = arith.cmpi eq, %and3A_104, %eq3A_106 : vector<1024x128xi32>
    %scan3A_108 = arith.constant 0 : i32
    %scan3A_109 = arith.constant 6 : i32
    %scan3A_110 = arith.addi %scan3A_108, %scan3A_109 : i32
    %scan3A_111 = arith.constant 1 : i32
    %scan3A_112:2 = scf.for %scan3A_325 = %scan3A_108 to %scan3A_110 step %scan3A_111 iter_args(%scan3A_326 = %scan3A_100#0, %scan3A_327 = %scan3A_100#1) -> (vector<1024x128xf32>, vector<1024x128xi32>)  : i32 {
      %sub3A_328 = arith.constant 5 : i32
      %sub3A_329 = arith.subi %sub3A_328, %scan3A_325 : i32
      %shift_left3A_330 = arith.constant 1 : i32
      %shift_left3A_331 = arith.shli %shift_left3A_330, %sub3A_329 : i32
      %and3A_332 = vector.broadcast %shift_left3A_331 : i32 to vector<1024x128xi32>
      %and3A_333 = arith.andi %add3A_19, %and3A_332 : vector<1024x128xi32>
      %eq3A_334 = arith.constant 0 : i32
      %eq3A_335 = vector.broadcast %eq3A_334 : i32 to vector<1024x128xi32>
      %eq3A_336 = arith.cmpi eq, %and3A_333, %eq3A_335 : vector<1024x128xi32>
      %sub3A_337 = arith.constant 128 : i32
      %sub3A_338 = arith.subi %sub3A_337, %shift_left3A_331 : i32
      %roll3A_339 = tpu.dynamic_rotate %scan3A_326 by %sub3A_338 dim 1 : vector<1024x128xf32>, i32 -> vector<1024x128xf32>
      %roll3A_340 = tpu.dynamic_rotate %scan3A_326 by %shift_left3A_331 dim 1 : vector<1024x128xf32>, i32 -> vector<1024x128xf32>
      %sub3A_341 = arith.constant 128 : i32
      %sub3A_342 = arith.subi %sub3A_341, %shift_left3A_331 : i32
      %roll3A_343 = tpu.dynamic_rotate %scan3A_327 by %sub3A_342 dim 1 : vector<1024x128xi32>, i32 -> vector<1024x128xi32>
      %roll3A_344 = tpu.dynamic_rotate %scan3A_327 by %shift_left3A_331 dim 1 : vector<1024x128xi32>, i32 -> vector<1024x128xi32>
      %select_n3A_345 = arith.select %eq3A_336, %roll3A_339, %roll3A_340 : vector<1024x128xi1>, vector<1024x128xf32>
      %select_n3A_346 = arith.select %eq3A_336, %roll3A_343, %roll3A_344 : vector<1024x128xi1>, vector<1024x128xi32>
      %eq3A_347 = arith.xori %eq3A_336, %eq3A_107 : vector<1024x128xi1>
      %eq3A_348 = arith.constant dense<true> : vector<1024x128xi1>
      %eq3A_349 = arith.xori %eq3A_347, %eq3A_348 : vector<1024x128xi1>
      %gt3A_350 = arith.cmpf ogt, %scan3A_326, %select_n3A_345 : vector<1024x128xf32>
      %eq3A_351 = arith.cmpf oeq, %scan3A_326, %select_n3A_345 : vector<1024x128xf32>
      %lt3A_352 = arith.cmpi slt, %scan3A_327, %select_n3A_346 : vector<1024x128xi32>
      %and3A_353 = arith.andi %eq3A_351, %lt3A_352 : vector<1024x128xi1>
      %or3A_354 = arith.ori %gt3A_350, %and3A_353 : vector<1024x128xi1>
      %eq3A_355 = arith.xori %or3A_354, %eq3A_349 : vector<1024x128xi1>
      %eq3A_356 = arith.constant dense<true> : vector<1024x128xi1>
      %eq3A_357 = arith.xori %eq3A_355, %eq3A_356 : vector<1024x128xi1>
      %select_n3A_358 = arith.select %eq3A_357, %scan3A_326, %select_n3A_345 : vector<1024x128xi1>, vector<1024x128xf32>
      %select_n3A_359 = arith.select %eq3A_357, %scan3A_327, %select_n3A_346 : vector<1024x128xi1>, vector<1024x128xi32>
      scf.yield %select_n3A_358, %select_n3A_359 : vector<1024x128xf32>, vector<1024x128xi32>
    }
    %scan3A_113 = arith.constant 6 : i32
    %and3A_114 = arith.constant 128 : i32
    %and3A_115 = vector.broadcast %and3A_114 : i32 to vector<1024x128xi32>
    %and3A_116 = arith.andi %add3A_19, %and3A_115 : vector<1024x128xi32>
    %eq3A_117 = arith.constant 0 : i32
    %eq3A_118 = vector.broadcast %eq3A_117 : i32 to vector<1024x128xi32>
    %eq3A_119 = arith.cmpi eq, %and3A_116, %eq3A_118 : vector<1024x128xi32>
    %scan3A_120 = arith.constant 0 : i32
    %scan3A_121 = arith.constant 7 : i32
    %scan3A_122 = arith.addi %scan3A_120, %scan3A_121 : i32
    %scan3A_123 = arith.constant 1 : i32
    %scan3A_124:2 = scf.for %scan3A_325 = %scan3A_120 to %scan3A_122 step %scan3A_123 iter_args(%scan3A_326 = %scan3A_112#0, %scan3A_327 = %scan3A_112#1) -> (vector<1024x128xf32>, vector<1024x128xi32>)  : i32 {
      %sub3A_328 = arith.constant 6 : i32
      %sub3A_329 = arith.subi %sub3A_328, %scan3A_325 : i32
      %shift_left3A_330 = arith.constant 1 : i32
      %shift_left3A_331 = arith.shli %shift_left3A_330, %sub3A_329 : i32
      %and3A_332 = vector.broadcast %shift_left3A_331 : i32 to vector<1024x128xi32>
      %and3A_333 = arith.andi %add3A_19, %and3A_332 : vector<1024x128xi32>
      %eq3A_334 = arith.constant 0 : i32
      %eq3A_335 = vector.broadcast %eq3A_334 : i32 to vector<1024x128xi32>
      %eq3A_336 = arith.cmpi eq, %and3A_333, %eq3A_335 : vector<1024x128xi32>
      %sub3A_337 = arith.constant 128 : i32
      %sub3A_338 = arith.subi %sub3A_337, %shift_left3A_331 : i32
      %roll3A_339 = tpu.dynamic_rotate %scan3A_326 by %sub3A_338 dim 1 : vector<1024x128xf32>, i32 -> vector<1024x128xf32>
      %roll3A_340 = tpu.dynamic_rotate %scan3A_326 by %shift_left3A_331 dim 1 : vector<1024x128xf32>, i32 -> vector<1024x128xf32>
      %sub3A_341 = arith.constant 128 : i32
      %sub3A_342 = arith.subi %sub3A_341, %shift_left3A_331 : i32
      %roll3A_343 = tpu.dynamic_rotate %scan3A_327 by %sub3A_342 dim 1 : vector<1024x128xi32>, i32 -> vector<1024x128xi32>
      %roll3A_344 = tpu.dynamic_rotate %scan3A_327 by %shift_left3A_331 dim 1 : vector<1024x128xi32>, i32 -> vector<1024x128xi32>
      %select_n3A_345 = arith.select %eq3A_336, %roll3A_339, %roll3A_340 : vector<1024x128xi1>, vector<1024x128xf32>
      %select_n3A_346 = arith.select %eq3A_336, %roll3A_343, %roll3A_344 : vector<1024x128xi1>, vector<1024x128xi32>
      %eq3A_347 = arith.xori %eq3A_336, %eq3A_119 : vector<1024x128xi1>
      %eq3A_348 = arith.constant dense<true> : vector<1024x128xi1>
      %eq3A_349 = arith.xori %eq3A_347, %eq3A_348 : vector<1024x128xi1>
      %gt3A_350 = arith.cmpf ogt, %scan3A_326, %select_n3A_345 : vector<1024x128xf32>
      %eq3A_351 = arith.cmpf oeq, %scan3A_326, %select_n3A_345 : vector<1024x128xf32>
      %lt3A_352 = arith.cmpi slt, %scan3A_327, %select_n3A_346 : vector<1024x128xi32>
      %and3A_353 = arith.andi %eq3A_351, %lt3A_352 : vector<1024x128xi1>
      %or3A_354 = arith.ori %gt3A_350, %and3A_353 : vector<1024x128xi1>
      %eq3A_355 = arith.xori %or3A_354, %eq3A_349 : vector<1024x128xi1>
      %eq3A_356 = arith.constant dense<true> : vector<1024x128xi1>
      %eq3A_357 = arith.xori %eq3A_355, %eq3A_356 : vector<1024x128xi1>
      %select_n3A_358 = arith.select %eq3A_357, %scan3A_326, %select_n3A_345 : vector<1024x128xi1>, vector<1024x128xf32>
      %select_n3A_359 = arith.select %eq3A_357, %scan3A_327, %select_n3A_346 : vector<1024x128xi1>, vector<1024x128xi32>
      scf.yield %select_n3A_358, %select_n3A_359 : vector<1024x128xf32>, vector<1024x128xi32>
    }
    %scan3A_125 = arith.constant 7 : i32
    %and3A_126 = arith.constant 256 : i32
    %and3A_127 = vector.broadcast %and3A_126 : i32 to vector<1024x128xi32>
    %and3A_128 = arith.andi %add3A_19, %and3A_127 : vector<1024x128xi32>
    %eq3A_129 = arith.constant 0 : i32
    %eq3A_130 = vector.broadcast %eq3A_129 : i32 to vector<1024x128xi32>
    %eq3A_131 = arith.cmpi eq, %and3A_128, %eq3A_130 : vector<1024x128xi32>
    %scan3A_132 = arith.constant 0 : i32
    %sub3A_133 = arith.constant 0 : i32
    %sub3A_134 = arith.subi %sub3A_133, %scan3A_132 : i32
    %shift_left3A_135 = arith.constant 1 : i32
    %shift_left3A_136 = arith.shli %shift_left3A_135, %sub3A_134 : i32
    %mul3A_137 = arith.constant 128 : i32
    %mul3A_138 = arith.muli %shift_left3A_136, %mul3A_137 : i32
    %and3A_139 = vector.broadcast %mul3A_138 : i32 to vector<1024x128xi32>
    %and3A_140 = arith.andi %add3A_19, %and3A_139 : vector<1024x128xi32>
    %eq3A_141 = arith.constant 0 : i32
    %eq3A_142 = vector.broadcast %eq3A_141 : i32 to vector<1024x128xi32>
    %eq3A_143 = arith.cmpi eq, %and3A_140, %eq3A_142 : vector<1024x128xi32>
    %sub3A_144 = arith.constant 1024 : i32
    %sub3A_145 = arith.subi %sub3A_144, %shift_left3A_136 : i32
    %roll3A_146 = tpu.dynamic_rotate %scan3A_124#0 by %sub3A_145 dim 0 : vector<1024x128xf32>, i32 -> vector<1024x128xf32>
    %roll3A_147 = tpu.dynamic_rotate %scan3A_124#0 by %shift_left3A_136 dim 0 : vector<1024x128xf32>, i32 -> vector<1024x128xf32>
    %sub3A_148 = arith.constant 1024 : i32
    %sub3A_149 = arith.subi %sub3A_148, %shift_left3A_136 : i32
    %roll3A_150 = tpu.dynamic_rotate %scan3A_124#1 by %sub3A_149 dim 0 : vector<1024x128xi32>, i32 -> vector<1024x128xi32>
    %roll3A_151 = tpu.dynamic_rotate %scan3A_124#1 by %shift_left3A_136 dim 0 : vector<1024x128xi32>, i32 -> vector<1024x128xi32>
    %select_n3A_152 = arith.select %eq3A_143, %roll3A_146, %roll3A_147 : vector<1024x128xi1>, vector<1024x128xf32>
    %select_n3A_153 = arith.select %eq3A_143, %roll3A_150, %roll3A_151 : vector<1024x128xi1>, vector<1024x128xi32>
    %eq3A_154 = arith.xori %eq3A_143, %eq3A_131 : vector<1024x128xi1>
    %eq3A_155 = arith.constant dense<true> : vector<1024x128xi1>
    %eq3A_156 = arith.xori %eq3A_154, %eq3A_155 : vector<1024x128xi1>
    %gt3A_157 = arith.cmpf ogt, %scan3A_124#0, %select_n3A_152 : vector<1024x128xf32>
    %eq3A_158 = arith.cmpf oeq, %scan3A_124#0, %select_n3A_152 : vector<1024x128xf32>
    %lt3A_159 = arith.cmpi slt, %scan3A_124#1, %select_n3A_153 : vector<1024x128xi32>
    %and3A_160 = arith.andi %eq3A_158, %lt3A_159 : vector<1024x128xi1>
    %or3A_161 = arith.ori %gt3A_157, %and3A_160 : vector<1024x128xi1>
    %eq3A_162 = arith.xori %or3A_161, %eq3A_156 : vector<1024x128xi1>
    %eq3A_163 = arith.constant dense<true> : vector<1024x128xi1>
    %eq3A_164 = arith.xori %eq3A_162, %eq3A_163 : vector<1024x128xi1>
    %select_n3A_165 = arith.select %eq3A_164, %scan3A_124#0, %select_n3A_152 : vector<1024x128xi1>, vector<1024x128xf32>
    %select_n3A_166 = arith.select %eq3A_164, %scan3A_124#1, %select_n3A_153 : vector<1024x128xi1>, vector<1024x128xi32>
    %scan3A_167 = arith.constant 1 : i32
    %scan3A_168 = arith.constant 0 : i32
    %scan3A_169 = arith.constant 7 : i32
    %scan3A_170 = arith.addi %scan3A_168, %scan3A_169 : i32
    %scan3A_171 = arith.constant 1 : i32
    %scan3A_172:2 = scf.for %scan3A_325 = %scan3A_168 to %scan3A_170 step %scan3A_171 iter_args(%scan3A_326 = %select_n3A_165, %scan3A_327 = %select_n3A_166) -> (vector<1024x128xf32>, vector<1024x128xi32>)  : i32 {
      %sub3A_328 = arith.constant 6 : i32
      %sub3A_329 = arith.subi %sub3A_328, %scan3A_325 : i32
      %shift_left3A_330 = arith.constant 1 : i32
      %shift_left3A_331 = arith.shli %shift_left3A_330, %sub3A_329 : i32
      %and3A_332 = vector.broadcast %shift_left3A_331 : i32 to vector<1024x128xi32>
      %and3A_333 = arith.andi %add3A_19, %and3A_332 : vector<1024x128xi32>
      %eq3A_334 = arith.constant 0 : i32
      %eq3A_335 = vector.broadcast %eq3A_334 : i32 to vector<1024x128xi32>
      %eq3A_336 = arith.cmpi eq, %and3A_333, %eq3A_335 : vector<1024x128xi32>
      %sub3A_337 = arith.constant 128 : i32
      %sub3A_338 = arith.subi %sub3A_337, %shift_left3A_331 : i32
      %roll3A_339 = tpu.dynamic_rotate %scan3A_326 by %sub3A_338 dim 1 : vector<1024x128xf32>, i32 -> vector<1024x128xf32>
      %roll3A_340 = tpu.dynamic_rotate %scan3A_326 by %shift_left3A_331 dim 1 : vector<1024x128xf32>, i32 -> vector<1024x128xf32>
      %sub3A_341 = arith.constant 128 : i32
      %sub3A_342 = arith.subi %sub3A_341, %shift_left3A_331 : i32
      %roll3A_343 = tpu.dynamic_rotate %scan3A_327 by %sub3A_342 dim 1 : vector<1024x128xi32>, i32 -> vector<1024x128xi32>
      %roll3A_344 = tpu.dynamic_rotate %scan3A_327 by %shift_left3A_331 dim 1 : vector<1024x128xi32>, i32 -> vector<1024x128xi32>
      %select_n3A_345 = arith.select %eq3A_336, %roll3A_339, %roll3A_340 : vector<1024x128xi1>, vector<1024x128xf32>
      %select_n3A_346 = arith.select %eq3A_336, %roll3A_343, %roll3A_344 : vector<1024x128xi1>, vector<1024x128xi32>
      %eq3A_347 = arith.xori %eq3A_336, %eq3A_131 : vector<1024x128xi1>
      %eq3A_348 = arith.constant dense<true> : vector<1024x128xi1>
      %eq3A_349 = arith.xori %eq3A_347, %eq3A_348 : vector<1024x128xi1>
      %gt3A_350 = arith.cmpf ogt, %scan3A_326, %select_n3A_345 : vector<1024x128xf32>
      %eq3A_351 = arith.cmpf oeq, %scan3A_326, %select_n3A_345 : vector<1024x128xf32>
      %lt3A_352 = arith.cmpi slt, %scan3A_327, %select_n3A_346 : vector<1024x128xi32>
      %and3A_353 = arith.andi %eq3A_351, %lt3A_352 : vector<1024x128xi1>
      %or3A_354 = arith.ori %gt3A_350, %and3A_353 : vector<1024x128xi1>
      %eq3A_355 = arith.xori %or3A_354, %eq3A_349 : vector<1024x128xi1>
      %eq3A_356 = arith.constant dense<true> : vector<1024x128xi1>
      %eq3A_357 = arith.xori %eq3A_355, %eq3A_356 : vector<1024x128xi1>
      %select_n3A_358 = arith.select %eq3A_357, %scan3A_326, %select_n3A_345 : vector<1024x128xi1>, vector<1024x128xf32>
      %select_n3A_359 = arith.select %eq3A_357, %scan3A_327, %select_n3A_346 : vector<1024x128xi1>, vector<1024x128xi32>
      scf.yield %select_n3A_358, %select_n3A_359 : vector<1024x128xf32>, vector<1024x128xi32>
    }
    %scan3A_173 = arith.constant 7 : i32
    %and3A_174 = arith.constant 512 : i32
    %and3A_175 = vector.broadcast %and3A_174 : i32 to vector<1024x128xi32>
    %and3A_176 = arith.andi %add3A_19, %and3A_175 : vector<1024x128xi32>
    %eq3A_177 = arith.constant 0 : i32
    %eq3A_178 = vector.broadcast %eq3A_177 : i32 to vector<1024x128xi32>
    %eq3A_179 = arith.cmpi eq, %and3A_176, %eq3A_178 : vector<1024x128xi32>
    %scan3A_180 = arith.constant 0 : i32
    %scan3A_181 = arith.constant 2 : i32
    %scan3A_182 = arith.addi %scan3A_180, %scan3A_181 : i32
    %scan3A_183 = arith.constant 1 : i32
    %scan3A_184:2 = scf.for %scan3A_325 = %scan3A_180 to %scan3A_182 step %scan3A_183 iter_args(%scan3A_326 = %scan3A_172#0, %scan3A_327 = %scan3A_172#1) -> (vector<1024x128xf32>, vector<1024x128xi32>)  : i32 {
      %sub3A_328 = arith.constant 1 : i32
      %sub3A_329 = arith.subi %sub3A_328, %scan3A_325 : i32
      %shift_left3A_330 = arith.constant 1 : i32
      %shift_left3A_331 = arith.shli %shift_left3A_330, %sub3A_329 : i32
      %mul3A_332 = arith.constant 128 : i32
      %mul3A_333 = arith.muli %shift_left3A_331, %mul3A_332 : i32
      %and3A_334 = vector.broadcast %mul3A_333 : i32 to vector<1024x128xi32>
      %and3A_335 = arith.andi %add3A_19, %and3A_334 : vector<1024x128xi32>
      %eq3A_336 = arith.constant 0 : i32
      %eq3A_337 = vector.broadcast %eq3A_336 : i32 to vector<1024x128xi32>
      %eq3A_338 = arith.cmpi eq, %and3A_335, %eq3A_337 : vector<1024x128xi32>
      %sub3A_339 = arith.constant 1024 : i32
      %sub3A_340 = arith.subi %sub3A_339, %shift_left3A_331 : i32
      %roll3A_341 = tpu.dynamic_rotate %scan3A_326 by %sub3A_340 dim 0 : vector<1024x128xf32>, i32 -> vector<1024x128xf32>
      %roll3A_342 = tpu.dynamic_rotate %scan3A_326 by %shift_left3A_331 dim 0 : vector<1024x128xf32>, i32 -> vector<1024x128xf32>
      %sub3A_343 = arith.constant 1024 : i32
      %sub3A_344 = arith.subi %sub3A_343, %shift_left3A_331 : i32
      %roll3A_345 = tpu.dynamic_rotate %scan3A_327 by %sub3A_344 dim 0 : vector<1024x128xi32>, i32 -> vector<1024x128xi32>
      %roll3A_346 = tpu.dynamic_rotate %scan3A_327 by %shift_left3A_331 dim 0 : vector<1024x128xi32>, i32 -> vector<1024x128xi32>
      %select_n3A_347 = arith.select %eq3A_338, %roll3A_341, %roll3A_342 : vector<1024x128xi1>, vector<1024x128xf32>
      %select_n3A_348 = arith.select %eq3A_338, %roll3A_345, %roll3A_346 : vector<1024x128xi1>, vector<1024x128xi32>
      %eq3A_349 = arith.xori %eq3A_338, %eq3A_179 : vector<1024x128xi1>
      %eq3A_350 = arith.constant dense<true> : vector<1024x128xi1>
      %eq3A_351 = arith.xori %eq3A_349, %eq3A_350 : vector<1024x128xi1>
      %gt3A_352 = arith.cmpf ogt, %scan3A_326, %select_n3A_347 : vector<1024x128xf32>
      %eq3A_353 = arith.cmpf oeq, %scan3A_326, %select_n3A_347 : vector<1024x128xf32>
      %lt3A_354 = arith.cmpi slt, %scan3A_327, %select_n3A_348 : vector<1024x128xi32>
      %and3A_355 = arith.andi %eq3A_353, %lt3A_354 : vector<1024x128xi1>
      %or3A_356 = arith.ori %gt3A_352, %and3A_355 : vector<1024x128xi1>
      %eq3A_357 = arith.xori %or3A_356, %eq3A_351 : vector<1024x128xi1>
      %eq3A_358 = arith.constant dense<true> : vector<1024x128xi1>
      %eq3A_359 = arith.xori %eq3A_357, %eq3A_358 : vector<1024x128xi1>
      %select_n3A_360 = arith.select %eq3A_359, %scan3A_326, %select_n3A_347 : vector<1024x128xi1>, vector<1024x128xf32>
      %select_n3A_361 = arith.select %eq3A_359, %scan3A_327, %select_n3A_348 : vector<1024x128xi1>, vector<1024x128xi32>
      scf.yield %select_n3A_360, %select_n3A_361 : vector<1024x128xf32>, vector<1024x128xi32>
    }
    %scan3A_185 = arith.constant 2 : i32
    %scan3A_186 = arith.constant 0 : i32
    %scan3A_187 = arith.constant 7 : i32
    %scan3A_188 = arith.addi %scan3A_186, %scan3A_187 : i32
    %scan3A_189 = arith.constant 1 : i32
    %scan3A_190:2 = scf.for %scan3A_325 = %scan3A_186 to %scan3A_188 step %scan3A_189 iter_args(%scan3A_326 = %scan3A_184#0, %scan3A_327 = %scan3A_184#1) -> (vector<1024x128xf32>, vector<1024x128xi32>)  : i32 {
      %sub3A_328 = arith.constant 6 : i32
      %sub3A_329 = arith.subi %sub3A_328, %scan3A_325 : i32
      %shift_left3A_330 = arith.constant 1 : i32
      %shift_left3A_331 = arith.shli %shift_left3A_330, %sub3A_329 : i32
      %and3A_332 = vector.broadcast %shift_left3A_331 : i32 to vector<1024x128xi32>
      %and3A_333 = arith.andi %add3A_19, %and3A_332 : vector<1024x128xi32>
      %eq3A_334 = arith.constant 0 : i32
      %eq3A_335 = vector.broadcast %eq3A_334 : i32 to vector<1024x128xi32>
      %eq3A_336 = arith.cmpi eq, %and3A_333, %eq3A_335 : vector<1024x128xi32>
      %sub3A_337 = arith.constant 128 : i32
      %sub3A_338 = arith.subi %sub3A_337, %shift_left3A_331 : i32
      %roll3A_339 = tpu.dynamic_rotate %scan3A_326 by %sub3A_338 dim 1 : vector<1024x128xf32>, i32 -> vector<1024x128xf32>
      %roll3A_340 = tpu.dynamic_rotate %scan3A_326 by %shift_left3A_331 dim 1 : vector<1024x128xf32>, i32 -> vector<1024x128xf32>
      %sub3A_341 = arith.constant 128 : i32
      %sub3A_342 = arith.subi %sub3A_341, %shift_left3A_331 : i32
      %roll3A_343 = tpu.dynamic_rotate %scan3A_327 by %sub3A_342 dim 1 : vector<1024x128xi32>, i32 -> vector<1024x128xi32>
      %roll3A_344 = tpu.dynamic_rotate %scan3A_327 by %shift_left3A_331 dim 1 : vector<1024x128xi32>, i32 -> vector<1024x128xi32>
      %select_n3A_345 = arith.select %eq3A_336, %roll3A_339, %roll3A_340 : vector<1024x128xi1>, vector<1024x128xf32>
      %select_n3A_346 = arith.select %eq3A_336, %roll3A_343, %roll3A_344 : vector<1024x128xi1>, vector<1024x128xi32>
      %eq3A_347 = arith.xori %eq3A_336, %eq3A_179 : vector<1024x128xi1>
      %eq3A_348 = arith.constant dense<true> : vector<1024x128xi1>
      %eq3A_349 = arith.xori %eq3A_347, %eq3A_348 : vector<1024x128xi1>
      %gt3A_350 = arith.cmpf ogt, %scan3A_326, %select_n3A_345 : vector<1024x128xf32>
      %eq3A_351 = arith.cmpf oeq, %scan3A_326, %select_n3A_345 : vector<1024x128xf32>
      %lt3A_352 = arith.cmpi slt, %scan3A_327, %select_n3A_346 : vector<1024x128xi32>
      %and3A_353 = arith.andi %eq3A_351, %lt3A_352 : vector<1024x128xi1>
      %or3A_354 = arith.ori %gt3A_350, %and3A_353 : vector<1024x128xi1>
      %eq3A_355 = arith.xori %or3A_354, %eq3A_349 : vector<1024x128xi1>
      %eq3A_356 = arith.constant dense<true> : vector<1024x128xi1>
      %eq3A_357 = arith.xori %eq3A_355, %eq3A_356 : vector<1024x128xi1>
      %select_n3A_358 = arith.select %eq3A_357, %scan3A_326, %select_n3A_345 : vector<1024x128xi1>, vector<1024x128xf32>
      %select_n3A_359 = arith.select %eq3A_357, %scan3A_327, %select_n3A_346 : vector<1024x128xi1>, vector<1024x128xi32>
      scf.yield %select_n3A_358, %select_n3A_359 : vector<1024x128xf32>, vector<1024x128xi32>
    }
    %scan3A_191 = arith.constant 7 : i32
    %and3A_192 = arith.constant 1024 : i32
    %and3A_193 = vector.broadcast %and3A_192 : i32 to vector<1024x128xi32>
    %and3A_194 = arith.andi %add3A_19, %and3A_193 : vector<1024x128xi32>
    %eq3A_195 = arith.constant 0 : i32
    %eq3A_196 = vector.broadcast %eq3A_195 : i32 to vector<1024x128xi32>
    %eq3A_197 = arith.cmpi eq, %and3A_194, %eq3A_196 : vector<1024x128xi32>
    %scan3A_198 = arith.constant 0 : i32
    %scan3A_199 = arith.constant 3 : i32
    %scan3A_200 = arith.addi %scan3A_198, %scan3A_199 : i32
    %scan3A_201 = arith.constant 1 : i32
    %scan3A_202:2 = scf.for %scan3A_325 = %scan3A_198 to %scan3A_200 step %scan3A_201 iter_args(%scan3A_326 = %scan3A_190#0, %scan3A_327 = %scan3A_190#1) -> (vector<1024x128xf32>, vector<1024x128xi32>)  : i32 {
      %sub3A_328 = arith.constant 2 : i32
      %sub3A_329 = arith.subi %sub3A_328, %scan3A_325 : i32
      %shift_left3A_330 = arith.constant 1 : i32
      %shift_left3A_331 = arith.shli %shift_left3A_330, %sub3A_329 : i32
      %mul3A_332 = arith.constant 128 : i32
      %mul3A_333 = arith.muli %shift_left3A_331, %mul3A_332 : i32
      %and3A_334 = vector.broadcast %mul3A_333 : i32 to vector<1024x128xi32>
      %and3A_335 = arith.andi %add3A_19, %and3A_334 : vector<1024x128xi32>
      %eq3A_336 = arith.constant 0 : i32
      %eq3A_337 = vector.broadcast %eq3A_336 : i32 to vector<1024x128xi32>
      %eq3A_338 = arith.cmpi eq, %and3A_335, %eq3A_337 : vector<1024x128xi32>
      %sub3A_339 = arith.constant 1024 : i32
      %sub3A_340 = arith.subi %sub3A_339, %shift_left3A_331 : i32
      %roll3A_341 = tpu.dynamic_rotate %scan3A_326 by %sub3A_340 dim 0 : vector<1024x128xf32>, i32 -> vector<1024x128xf32>
      %roll3A_342 = tpu.dynamic_rotate %scan3A_326 by %shift_left3A_331 dim 0 : vector<1024x128xf32>, i32 -> vector<1024x128xf32>
      %sub3A_343 = arith.constant 1024 : i32
      %sub3A_344 = arith.subi %sub3A_343, %shift_left3A_331 : i32
      %roll3A_345 = tpu.dynamic_rotate %scan3A_327 by %sub3A_344 dim 0 : vector<1024x128xi32>, i32 -> vector<1024x128xi32>
      %roll3A_346 = tpu.dynamic_rotate %scan3A_327 by %shift_left3A_331 dim 0 : vector<1024x128xi32>, i32 -> vector<1024x128xi32>
      %select_n3A_347 = arith.select %eq3A_338, %roll3A_341, %roll3A_342 : vector<1024x128xi1>, vector<1024x128xf32>
      %select_n3A_348 = arith.select %eq3A_338, %roll3A_345, %roll3A_346 : vector<1024x128xi1>, vector<1024x128xi32>
      %eq3A_349 = arith.xori %eq3A_338, %eq3A_197 : vector<1024x128xi1>
      %eq3A_350 = arith.constant dense<true> : vector<1024x128xi1>
      %eq3A_351 = arith.xori %eq3A_349, %eq3A_350 : vector<1024x128xi1>
      %gt3A_352 = arith.cmpf ogt, %scan3A_326, %select_n3A_347 : vector<1024x128xf32>
      %eq3A_353 = arith.cmpf oeq, %scan3A_326, %select_n3A_347 : vector<1024x128xf32>
      %lt3A_354 = arith.cmpi slt, %scan3A_327, %select_n3A_348 : vector<1024x128xi32>
      %and3A_355 = arith.andi %eq3A_353, %lt3A_354 : vector<1024x128xi1>
      %or3A_356 = arith.ori %gt3A_352, %and3A_355 : vector<1024x128xi1>
      %eq3A_357 = arith.xori %or3A_356, %eq3A_351 : vector<1024x128xi1>
      %eq3A_358 = arith.constant dense<true> : vector<1024x128xi1>
      %eq3A_359 = arith.xori %eq3A_357, %eq3A_358 : vector<1024x128xi1>
      %select_n3A_360 = arith.select %eq3A_359, %scan3A_326, %select_n3A_347 : vector<1024x128xi1>, vector<1024x128xf32>
      %select_n3A_361 = arith.select %eq3A_359, %scan3A_327, %select_n3A_348 : vector<1024x128xi1>, vector<1024x128xi32>
      scf.yield %select_n3A_360, %select_n3A_361 : vector<1024x128xf32>, vector<1024x128xi32>
    }
    %scan3A_203 = arith.constant 3 : i32
    %scan3A_204 = arith.constant 0 : i32
    %scan3A_205 = arith.constant 7 : i32
    %scan3A_206 = arith.addi %scan3A_204, %scan3A_205 : i32
    %scan3A_207 = arith.constant 1 : i32
    %scan3A_208:2 = scf.for %scan3A_325 = %scan3A_204 to %scan3A_206 step %scan3A_207 iter_args(%scan3A_326 = %scan3A_202#0, %scan3A_327 = %scan3A_202#1) -> (vector<1024x128xf32>, vector<1024x128xi32>)  : i32 {
      %sub3A_328 = arith.constant 6 : i32
      %sub3A_329 = arith.subi %sub3A_328, %scan3A_325 : i32
      %shift_left3A_330 = arith.constant 1 : i32
      %shift_left3A_331 = arith.shli %shift_left3A_330, %sub3A_329 : i32
      %and3A_332 = vector.broadcast %shift_left3A_331 : i32 to vector<1024x128xi32>
      %and3A_333 = arith.andi %add3A_19, %and3A_332 : vector<1024x128xi32>
      %eq3A_334 = arith.constant 0 : i32
      %eq3A_335 = vector.broadcast %eq3A_334 : i32 to vector<1024x128xi32>
      %eq3A_336 = arith.cmpi eq, %and3A_333, %eq3A_335 : vector<1024x128xi32>
      %sub3A_337 = arith.constant 128 : i32
      %sub3A_338 = arith.subi %sub3A_337, %shift_left3A_331 : i32
      %roll3A_339 = tpu.dynamic_rotate %scan3A_326 by %sub3A_338 dim 1 : vector<1024x128xf32>, i32 -> vector<1024x128xf32>
      %roll3A_340 = tpu.dynamic_rotate %scan3A_326 by %shift_left3A_331 dim 1 : vector<1024x128xf32>, i32 -> vector<1024x128xf32>
      %sub3A_341 = arith.constant 128 : i32
      %sub3A_342 = arith.subi %sub3A_341, %shift_left3A_331 : i32
      %roll3A_343 = tpu.dynamic_rotate %scan3A_327 by %sub3A_342 dim 1 : vector<1024x128xi32>, i32 -> vector<1024x128xi32>
      %roll3A_344 = tpu.dynamic_rotate %scan3A_327 by %shift_left3A_331 dim 1 : vector<1024x128xi32>, i32 -> vector<1024x128xi32>
      %select_n3A_345 = arith.select %eq3A_336, %roll3A_339, %roll3A_340 : vector<1024x128xi1>, vector<1024x128xf32>
      %select_n3A_346 = arith.select %eq3A_336, %roll3A_343, %roll3A_344 : vector<1024x128xi1>, vector<1024x128xi32>
      %eq3A_347 = arith.xori %eq3A_336, %eq3A_197 : vector<1024x128xi1>
      %eq3A_348 = arith.constant dense<true> : vector<1024x128xi1>
      %eq3A_349 = arith.xori %eq3A_347, %eq3A_348 : vector<1024x128xi1>
      %gt3A_350 = arith.cmpf ogt, %scan3A_326, %select_n3A_345 : vector<1024x128xf32>
      %eq3A_351 = arith.cmpf oeq, %scan3A_326, %select_n3A_345 : vector<1024x128xf32>
      %lt3A_352 = arith.cmpi slt, %scan3A_327, %select_n3A_346 : vector<1024x128xi32>
      %and3A_353 = arith.andi %eq3A_351, %lt3A_352 : vector<1024x128xi1>
      %or3A_354 = arith.ori %gt3A_350, %and3A_353 : vector<1024x128xi1>
      %eq3A_355 = arith.xori %or3A_354, %eq3A_349 : vector<1024x128xi1>
      %eq3A_356 = arith.constant dense<true> : vector<1024x128xi1>
      %eq3A_357 = arith.xori %eq3A_355, %eq3A_356 : vector<1024x128xi1>
      %select_n3A_358 = arith.select %eq3A_357, %scan3A_326, %select_n3A_345 : vector<1024x128xi1>, vector<1024x128xf32>
      %select_n3A_359 = arith.select %eq3A_357, %scan3A_327, %select_n3A_346 : vector<1024x128xi1>, vector<1024x128xi32>
      scf.yield %select_n3A_358, %select_n3A_359 : vector<1024x128xf32>, vector<1024x128xi32>
    }
    %scan3A_209 = arith.constant 7 : i32
    %and3A_210 = arith.constant 2048 : i32
    %and3A_211 = vector.broadcast %and3A_210 : i32 to vector<1024x128xi32>
    %and3A_212 = arith.andi %add3A_19, %and3A_211 : vector<1024x128xi32>
    %eq3A_213 = arith.constant 0 : i32
    %eq3A_214 = vector.broadcast %eq3A_213 : i32 to vector<1024x128xi32>
    %eq3A_215 = arith.cmpi eq, %and3A_212, %eq3A_214 : vector<1024x128xi32>
    %scan3A_216 = arith.constant 0 : i32
    %scan3A_217 = arith.constant 4 : i32
    %scan3A_218 = arith.addi %scan3A_216, %scan3A_217 : i32
    %scan3A_219 = arith.constant 1 : i32
    %scan3A_220:2 = scf.for %scan3A_325 = %scan3A_216 to %scan3A_218 step %scan3A_219 iter_args(%scan3A_326 = %scan3A_208#0, %scan3A_327 = %scan3A_208#1) -> (vector<1024x128xf32>, vector<1024x128xi32>)  : i32 {
      %sub3A_328 = arith.constant 3 : i32
      %sub3A_329 = arith.subi %sub3A_328, %scan3A_325 : i32
      %shift_left3A_330 = arith.constant 1 : i32
      %shift_left3A_331 = arith.shli %shift_left3A_330, %sub3A_329 : i32
      %mul3A_332 = arith.constant 128 : i32
      %mul3A_333 = arith.muli %shift_left3A_331, %mul3A_332 : i32
      %and3A_334 = vector.broadcast %mul3A_333 : i32 to vector<1024x128xi32>
      %and3A_335 = arith.andi %add3A_19, %and3A_334 : vector<1024x128xi32>
      %eq3A_336 = arith.constant 0 : i32
      %eq3A_337 = vector.broadcast %eq3A_336 : i32 to vector<1024x128xi32>
      %eq3A_338 = arith.cmpi eq, %and3A_335, %eq3A_337 : vector<1024x128xi32>
      %sub3A_339 = arith.constant 1024 : i32
      %sub3A_340 = arith.subi %sub3A_339, %shift_left3A_331 : i32
      %roll3A_341 = tpu.dynamic_rotate %scan3A_326 by %sub3A_340 dim 0 : vector<1024x128xf32>, i32 -> vector<1024x128xf32>
      %roll3A_342 = tpu.dynamic_rotate %scan3A_326 by %shift_left3A_331 dim 0 : vector<1024x128xf32>, i32 -> vector<1024x128xf32>
      %sub3A_343 = arith.constant 1024 : i32
      %sub3A_344 = arith.subi %sub3A_343, %shift_left3A_331 : i32
      %roll3A_345 = tpu.dynamic_rotate %scan3A_327 by %sub3A_344 dim 0 : vector<1024x128xi32>, i32 -> vector<1024x128xi32>
      %roll3A_346 = tpu.dynamic_rotate %scan3A_327 by %shift_left3A_331 dim 0 : vector<1024x128xi32>, i32 -> vector<1024x128xi32>
      %select_n3A_347 = arith.select %eq3A_338, %roll3A_341, %roll3A_342 : vector<1024x128xi1>, vector<1024x128xf32>
      %select_n3A_348 = arith.select %eq3A_338, %roll3A_345, %roll3A_346 : vector<1024x128xi1>, vector<1024x128xi32>
      %eq3A_349 = arith.xori %eq3A_338, %eq3A_215 : vector<1024x128xi1>
      %eq3A_350 = arith.constant dense<true> : vector<1024x128xi1>
      %eq3A_351 = arith.xori %eq3A_349, %eq3A_350 : vector<1024x128xi1>
      %gt3A_352 = arith.cmpf ogt, %scan3A_326, %select_n3A_347 : vector<1024x128xf32>
      %eq3A_353 = arith.cmpf oeq, %scan3A_326, %select_n3A_347 : vector<1024x128xf32>
      %lt3A_354 = arith.cmpi slt, %scan3A_327, %select_n3A_348 : vector<1024x128xi32>
      %and3A_355 = arith.andi %eq3A_353, %lt3A_354 : vector<1024x128xi1>
      %or3A_356 = arith.ori %gt3A_352, %and3A_355 : vector<1024x128xi1>
      %eq3A_357 = arith.xori %or3A_356, %eq3A_351 : vector<1024x128xi1>
      %eq3A_358 = arith.constant dense<true> : vector<1024x128xi1>
      %eq3A_359 = arith.xori %eq3A_357, %eq3A_358 : vector<1024x128xi1>
      %select_n3A_360 = arith.select %eq3A_359, %scan3A_326, %select_n3A_347 : vector<1024x128xi1>, vector<1024x128xf32>
      %select_n3A_361 = arith.select %eq3A_359, %scan3A_327, %select_n3A_348 : vector<1024x128xi1>, vector<1024x128xi32>
      scf.yield %select_n3A_360, %select_n3A_361 : vector<1024x128xf32>, vector<1024x128xi32>
    }
    %scan3A_221 = arith.constant 4 : i32
    %scan3A_222 = arith.constant 0 : i32
    %scan3A_223 = arith.constant 7 : i32
    %scan3A_224 = arith.addi %scan3A_222, %scan3A_223 : i32
    %scan3A_225 = arith.constant 1 : i32
    %scan3A_226:2 = scf.for %scan3A_325 = %scan3A_222 to %scan3A_224 step %scan3A_225 iter_args(%scan3A_326 = %scan3A_220#0, %scan3A_327 = %scan3A_220#1) -> (vector<1024x128xf32>, vector<1024x128xi32>)  : i32 {
      %sub3A_328 = arith.constant 6 : i32
      %sub3A_329 = arith.subi %sub3A_328, %scan3A_325 : i32
      %shift_left3A_330 = arith.constant 1 : i32
      %shift_left3A_331 = arith.shli %shift_left3A_330, %sub3A_329 : i32
      %and3A_332 = vector.broadcast %shift_left3A_331 : i32 to vector<1024x128xi32>
      %and3A_333 = arith.andi %add3A_19, %and3A_332 : vector<1024x128xi32>
      %eq3A_334 = arith.constant 0 : i32
      %eq3A_335 = vector.broadcast %eq3A_334 : i32 to vector<1024x128xi32>
      %eq3A_336 = arith.cmpi eq, %and3A_333, %eq3A_335 : vector<1024x128xi32>
      %sub3A_337 = arith.constant 128 : i32
      %sub3A_338 = arith.subi %sub3A_337, %shift_left3A_331 : i32
      %roll3A_339 = tpu.dynamic_rotate %scan3A_326 by %sub3A_338 dim 1 : vector<1024x128xf32>, i32 -> vector<1024x128xf32>
      %roll3A_340 = tpu.dynamic_rotate %scan3A_326 by %shift_left3A_331 dim 1 : vector<1024x128xf32>, i32 -> vector<1024x128xf32>
      %sub3A_341 = arith.constant 128 : i32
      %sub3A_342 = arith.subi %sub3A_341, %shift_left3A_331 : i32
      %roll3A_343 = tpu.dynamic_rotate %scan3A_327 by %sub3A_342 dim 1 : vector<1024x128xi32>, i32 -> vector<1024x128xi32>
      %roll3A_344 = tpu.dynamic_rotate %scan3A_327 by %shift_left3A_331 dim 1 : vector<1024x128xi32>, i32 -> vector<1024x128xi32>
      %select_n3A_345 = arith.select %eq3A_336, %roll3A_339, %roll3A_340 : vector<1024x128xi1>, vector<1024x128xf32>
      %select_n3A_346 = arith.select %eq3A_336, %roll3A_343, %roll3A_344 : vector<1024x128xi1>, vector<1024x128xi32>
      %eq3A_347 = arith.xori %eq3A_336, %eq3A_215 : vector<1024x128xi1>
      %eq3A_348 = arith.constant dense<true> : vector<1024x128xi1>
      %eq3A_349 = arith.xori %eq3A_347, %eq3A_348 : vector<1024x128xi1>
      %gt3A_350 = arith.cmpf ogt, %scan3A_326, %select_n3A_345 : vector<1024x128xf32>
      %eq3A_351 = arith.cmpf oeq, %scan3A_326, %select_n3A_345 : vector<1024x128xf32>
      %lt3A_352 = arith.cmpi slt, %scan3A_327, %select_n3A_346 : vector<1024x128xi32>
      %and3A_353 = arith.andi %eq3A_351, %lt3A_352 : vector<1024x128xi1>
      %or3A_354 = arith.ori %gt3A_350, %and3A_353 : vector<1024x128xi1>
      %eq3A_355 = arith.xori %or3A_354, %eq3A_349 : vector<1024x128xi1>
      %eq3A_356 = arith.constant dense<true> : vector<1024x128xi1>
      %eq3A_357 = arith.xori %eq3A_355, %eq3A_356 : vector<1024x128xi1>
      %select_n3A_358 = arith.select %eq3A_357, %scan3A_326, %select_n3A_345 : vector<1024x128xi1>, vector<1024x128xf32>
      %select_n3A_359 = arith.select %eq3A_357, %scan3A_327, %select_n3A_346 : vector<1024x128xi1>, vector<1024x128xi32>
      scf.yield %select_n3A_358, %select_n3A_359 : vector<1024x128xf32>, vector<1024x128xi32>
    }
    %scan3A_227 = arith.constant 7 : i32
    %and3A_228 = arith.constant 4096 : i32
    %and3A_229 = vector.broadcast %and3A_228 : i32 to vector<1024x128xi32>
    %and3A_230 = arith.andi %add3A_19, %and3A_229 : vector<1024x128xi32>
    %eq3A_231 = arith.constant 0 : i32
    %eq3A_232 = vector.broadcast %eq3A_231 : i32 to vector<1024x128xi32>
    %eq3A_233 = arith.cmpi eq, %and3A_230, %eq3A_232 : vector<1024x128xi32>
    %scan3A_234 = arith.constant 0 : i32
    %scan3A_235 = arith.constant 5 : i32
    %scan3A_236 = arith.addi %scan3A_234, %scan3A_235 : i32
    %scan3A_237 = arith.constant 1 : i32
    %scan3A_238:2 = scf.for %scan3A_325 = %scan3A_234 to %scan3A_236 step %scan3A_237 iter_args(%scan3A_326 = %scan3A_226#0, %scan3A_327 = %scan3A_226#1) -> (vector<1024x128xf32>, vector<1024x128xi32>)  : i32 {
      %sub3A_328 = arith.constant 4 : i32
      %sub3A_329 = arith.subi %sub3A_328, %scan3A_325 : i32
      %shift_left3A_330 = arith.constant 1 : i32
      %shift_left3A_331 = arith.shli %shift_left3A_330, %sub3A_329 : i32
      %mul3A_332 = arith.constant 128 : i32
      %mul3A_333 = arith.muli %shift_left3A_331, %mul3A_332 : i32
      %and3A_334 = vector.broadcast %mul3A_333 : i32 to vector<1024x128xi32>
      %and3A_335 = arith.andi %add3A_19, %and3A_334 : vector<1024x128xi32>
      %eq3A_336 = arith.constant 0 : i32
      %eq3A_337 = vector.broadcast %eq3A_336 : i32 to vector<1024x128xi32>
      %eq3A_338 = arith.cmpi eq, %and3A_335, %eq3A_337 : vector<1024x128xi32>
      %sub3A_339 = arith.constant 1024 : i32
      %sub3A_340 = arith.subi %sub3A_339, %shift_left3A_331 : i32
      %roll3A_341 = tpu.dynamic_rotate %scan3A_326 by %sub3A_340 dim 0 : vector<1024x128xf32>, i32 -> vector<1024x128xf32>
      %roll3A_342 = tpu.dynamic_rotate %scan3A_326 by %shift_left3A_331 dim 0 : vector<1024x128xf32>, i32 -> vector<1024x128xf32>
      %sub3A_343 = arith.constant 1024 : i32
      %sub3A_344 = arith.subi %sub3A_343, %shift_left3A_331 : i32
      %roll3A_345 = tpu.dynamic_rotate %scan3A_327 by %sub3A_344 dim 0 : vector<1024x128xi32>, i32 -> vector<1024x128xi32>
      %roll3A_346 = tpu.dynamic_rotate %scan3A_327 by %shift_left3A_331 dim 0 : vector<1024x128xi32>, i32 -> vector<1024x128xi32>
      %select_n3A_347 = arith.select %eq3A_338, %roll3A_341, %roll3A_342 : vector<1024x128xi1>, vector<1024x128xf32>
      %select_n3A_348 = arith.select %eq3A_338, %roll3A_345, %roll3A_346 : vector<1024x128xi1>, vector<1024x128xi32>
      %eq3A_349 = arith.xori %eq3A_338, %eq3A_233 : vector<1024x128xi1>
      %eq3A_350 = arith.constant dense<true> : vector<1024x128xi1>
      %eq3A_351 = arith.xori %eq3A_349, %eq3A_350 : vector<1024x128xi1>
      %gt3A_352 = arith.cmpf ogt, %scan3A_326, %select_n3A_347 : vector<1024x128xf32>
      %eq3A_353 = arith.cmpf oeq, %scan3A_326, %select_n3A_347 : vector<1024x128xf32>
      %lt3A_354 = arith.cmpi slt, %scan3A_327, %select_n3A_348 : vector<1024x128xi32>
      %and3A_355 = arith.andi %eq3A_353, %lt3A_354 : vector<1024x128xi1>
      %or3A_356 = arith.ori %gt3A_352, %and3A_355 : vector<1024x128xi1>
      %eq3A_357 = arith.xori %or3A_356, %eq3A_351 : vector<1024x128xi1>
      %eq3A_358 = arith.constant dense<true> : vector<1024x128xi1>
      %eq3A_359 = arith.xori %eq3A_357, %eq3A_358 : vector<1024x128xi1>
      %select_n3A_360 = arith.select %eq3A_359, %scan3A_326, %select_n3A_347 : vector<1024x128xi1>, vector<1024x128xf32>
      %select_n3A_361 = arith.select %eq3A_359, %scan3A_327, %select_n3A_348 : vector<1024x128xi1>, vector<1024x128xi32>
      scf.yield %select_n3A_360, %select_n3A_361 : vector<1024x128xf32>, vector<1024x128xi32>
    }
    %scan3A_239 = arith.constant 5 : i32
    %scan3A_240 = arith.constant 0 : i32
    %scan3A_241 = arith.constant 7 : i32
    %scan3A_242 = arith.addi %scan3A_240, %scan3A_241 : i32
    %scan3A_243 = arith.constant 1 : i32
    %scan3A_244:2 = scf.for %scan3A_325 = %scan3A_240 to %scan3A_242 step %scan3A_243 iter_args(%scan3A_326 = %scan3A_238#0, %scan3A_327 = %scan3A_238#1) -> (vector<1024x128xf32>, vector<1024x128xi32>)  : i32 {
      %sub3A_328 = arith.constant 6 : i32
      %sub3A_329 = arith.subi %sub3A_328, %scan3A_325 : i32
      %shift_left3A_330 = arith.constant 1 : i32
      %shift_left3A_331 = arith.shli %shift_left3A_330, %sub3A_329 : i32
      %and3A_332 = vector.broadcast %shift_left3A_331 : i32 to vector<1024x128xi32>
      %and3A_333 = arith.andi %add3A_19, %and3A_332 : vector<1024x128xi32>
      %eq3A_334 = arith.constant 0 : i32
      %eq3A_335 = vector.broadcast %eq3A_334 : i32 to vector<1024x128xi32>
      %eq3A_336 = arith.cmpi eq, %and3A_333, %eq3A_335 : vector<1024x128xi32>
      %sub3A_337 = arith.constant 128 : i32
      %sub3A_338 = arith.subi %sub3A_337, %shift_left3A_331 : i32
      %roll3A_339 = tpu.dynamic_rotate %scan3A_326 by %sub3A_338 dim 1 : vector<1024x128xf32>, i32 -> vector<1024x128xf32>
      %roll3A_340 = tpu.dynamic_rotate %scan3A_326 by %shift_left3A_331 dim 1 : vector<1024x128xf32>, i32 -> vector<1024x128xf32>
      %sub3A_341 = arith.constant 128 : i32
      %sub3A_342 = arith.subi %sub3A_341, %shift_left3A_331 : i32
      %roll3A_343 = tpu.dynamic_rotate %scan3A_327 by %sub3A_342 dim 1 : vector<1024x128xi32>, i32 -> vector<1024x128xi32>
      %roll3A_344 = tpu.dynamic_rotate %scan3A_327 by %shift_left3A_331 dim 1 : vector<1024x128xi32>, i32 -> vector<1024x128xi32>
      %select_n3A_345 = arith.select %eq3A_336, %roll3A_339, %roll3A_340 : vector<1024x128xi1>, vector<1024x128xf32>
      %select_n3A_346 = arith.select %eq3A_336, %roll3A_343, %roll3A_344 : vector<1024x128xi1>, vector<1024x128xi32>
      %eq3A_347 = arith.xori %eq3A_336, %eq3A_233 : vector<1024x128xi1>
      %eq3A_348 = arith.constant dense<true> : vector<1024x128xi1>
      %eq3A_349 = arith.xori %eq3A_347, %eq3A_348 : vector<1024x128xi1>
      %gt3A_350 = arith.cmpf ogt, %scan3A_326, %select_n3A_345 : vector<1024x128xf32>
      %eq3A_351 = arith.cmpf oeq, %scan3A_326, %select_n3A_345 : vector<1024x128xf32>
      %lt3A_352 = arith.cmpi slt, %scan3A_327, %select_n3A_346 : vector<1024x128xi32>
      %and3A_353 = arith.andi %eq3A_351, %lt3A_352 : vector<1024x128xi1>
      %or3A_354 = arith.ori %gt3A_350, %and3A_353 : vector<1024x128xi1>
      %eq3A_355 = arith.xori %or3A_354, %eq3A_349 : vector<1024x128xi1>
      %eq3A_356 = arith.constant dense<true> : vector<1024x128xi1>
      %eq3A_357 = arith.xori %eq3A_355, %eq3A_356 : vector<1024x128xi1>
      %select_n3A_358 = arith.select %eq3A_357, %scan3A_326, %select_n3A_345 : vector<1024x128xi1>, vector<1024x128xf32>
      %select_n3A_359 = arith.select %eq3A_357, %scan3A_327, %select_n3A_346 : vector<1024x128xi1>, vector<1024x128xi32>
      scf.yield %select_n3A_358, %select_n3A_359 : vector<1024x128xf32>, vector<1024x128xi32>
    }
    %scan3A_245 = arith.constant 7 : i32
    %and3A_246 = arith.constant 8192 : i32
    %and3A_247 = vector.broadcast %and3A_246 : i32 to vector<1024x128xi32>
    %and3A_248 = arith.andi %add3A_19, %and3A_247 : vector<1024x128xi32>
    %eq3A_249 = arith.constant 0 : i32
    %eq3A_250 = vector.broadcast %eq3A_249 : i32 to vector<1024x128xi32>
    %eq3A_251 = arith.cmpi eq, %and3A_248, %eq3A_250 : vector<1024x128xi32>
    %scan3A_252 = arith.constant 0 : i32
    %scan3A_253 = arith.constant 6 : i32
    %scan3A_254 = arith.addi %scan3A_252, %scan3A_253 : i32
    %scan3A_255 = arith.constant 1 : i32
    %scan3A_256:2 = scf.for %scan3A_325 = %scan3A_252 to %scan3A_254 step %scan3A_255 iter_args(%scan3A_326 = %scan3A_244#0, %scan3A_327 = %scan3A_244#1) -> (vector<1024x128xf32>, vector<1024x128xi32>)  : i32 {
      %sub3A_328 = arith.constant 5 : i32
      %sub3A_329 = arith.subi %sub3A_328, %scan3A_325 : i32
      %shift_left3A_330 = arith.constant 1 : i32
      %shift_left3A_331 = arith.shli %shift_left3A_330, %sub3A_329 : i32
      %mul3A_332 = arith.constant 128 : i32
      %mul3A_333 = arith.muli %shift_left3A_331, %mul3A_332 : i32
      %and3A_334 = vector.broadcast %mul3A_333 : i32 to vector<1024x128xi32>
      %and3A_335 = arith.andi %add3A_19, %and3A_334 : vector<1024x128xi32>
      %eq3A_336 = arith.constant 0 : i32
      %eq3A_337 = vector.broadcast %eq3A_336 : i32 to vector<1024x128xi32>
      %eq3A_338 = arith.cmpi eq, %and3A_335, %eq3A_337 : vector<1024x128xi32>
      %sub3A_339 = arith.constant 1024 : i32
      %sub3A_340 = arith.subi %sub3A_339, %shift_left3A_331 : i32
      %roll3A_341 = tpu.dynamic_rotate %scan3A_326 by %sub3A_340 dim 0 : vector<1024x128xf32>, i32 -> vector<1024x128xf32>
      %roll3A_342 = tpu.dynamic_rotate %scan3A_326 by %shift_left3A_331 dim 0 : vector<1024x128xf32>, i32 -> vector<1024x128xf32>
      %sub3A_343 = arith.constant 1024 : i32
      %sub3A_344 = arith.subi %sub3A_343, %shift_left3A_331 : i32
      %roll3A_345 = tpu.dynamic_rotate %scan3A_327 by %sub3A_344 dim 0 : vector<1024x128xi32>, i32 -> vector<1024x128xi32>
      %roll3A_346 = tpu.dynamic_rotate %scan3A_327 by %shift_left3A_331 dim 0 : vector<1024x128xi32>, i32 -> vector<1024x128xi32>
      %select_n3A_347 = arith.select %eq3A_338, %roll3A_341, %roll3A_342 : vector<1024x128xi1>, vector<1024x128xf32>
      %select_n3A_348 = arith.select %eq3A_338, %roll3A_345, %roll3A_346 : vector<1024x128xi1>, vector<1024x128xi32>
      %eq3A_349 = arith.xori %eq3A_338, %eq3A_251 : vector<1024x128xi1>
      %eq3A_350 = arith.constant dense<true> : vector<1024x128xi1>
      %eq3A_351 = arith.xori %eq3A_349, %eq3A_350 : vector<1024x128xi1>
      %gt3A_352 = arith.cmpf ogt, %scan3A_326, %select_n3A_347 : vector<1024x128xf32>
      %eq3A_353 = arith.cmpf oeq, %scan3A_326, %select_n3A_347 : vector<1024x128xf32>
      %lt3A_354 = arith.cmpi slt, %scan3A_327, %select_n3A_348 : vector<1024x128xi32>
      %and3A_355 = arith.andi %eq3A_353, %lt3A_354 : vector<1024x128xi1>
      %or3A_356 = arith.ori %gt3A_352, %and3A_355 : vector<1024x128xi1>
      %eq3A_357 = arith.xori %or3A_356, %eq3A_351 : vector<1024x128xi1>
      %eq3A_358 = arith.constant dense<true> : vector<1024x128xi1>
      %eq3A_359 = arith.xori %eq3A_357, %eq3A_358 : vector<1024x128xi1>
      %select_n3A_360 = arith.select %eq3A_359, %scan3A_326, %select_n3A_347 : vector<1024x128xi1>, vector<1024x128xf32>
      %select_n3A_361 = arith.select %eq3A_359, %scan3A_327, %select_n3A_348 : vector<1024x128xi1>, vector<1024x128xi32>
      scf.yield %select_n3A_360, %select_n3A_361 : vector<1024x128xf32>, vector<1024x128xi32>
    }
    %scan3A_257 = arith.constant 6 : i32
    %scan3A_258 = arith.constant 0 : i32
    %scan3A_259 = arith.constant 7 : i32
    %scan3A_260 = arith.addi %scan3A_258, %scan3A_259 : i32
    %scan3A_261 = arith.constant 1 : i32
    %scan3A_262:2 = scf.for %scan3A_325 = %scan3A_258 to %scan3A_260 step %scan3A_261 iter_args(%scan3A_326 = %scan3A_256#0, %scan3A_327 = %scan3A_256#1) -> (vector<1024x128xf32>, vector<1024x128xi32>)  : i32 {
      %sub3A_328 = arith.constant 6 : i32
      %sub3A_329 = arith.subi %sub3A_328, %scan3A_325 : i32
      %shift_left3A_330 = arith.constant 1 : i32
      %shift_left3A_331 = arith.shli %shift_left3A_330, %sub3A_329 : i32
      %and3A_332 = vector.broadcast %shift_left3A_331 : i32 to vector<1024x128xi32>
      %and3A_333 = arith.andi %add3A_19, %and3A_332 : vector<1024x128xi32>
      %eq3A_334 = arith.constant 0 : i32
      %eq3A_335 = vector.broadcast %eq3A_334 : i32 to vector<1024x128xi32>
      %eq3A_336 = arith.cmpi eq, %and3A_333, %eq3A_335 : vector<1024x128xi32>
      %sub3A_337 = arith.constant 128 : i32
      %sub3A_338 = arith.subi %sub3A_337, %shift_left3A_331 : i32
      %roll3A_339 = tpu.dynamic_rotate %scan3A_326 by %sub3A_338 dim 1 : vector<1024x128xf32>, i32 -> vector<1024x128xf32>
      %roll3A_340 = tpu.dynamic_rotate %scan3A_326 by %shift_left3A_331 dim 1 : vector<1024x128xf32>, i32 -> vector<1024x128xf32>
      %sub3A_341 = arith.constant 128 : i32
      %sub3A_342 = arith.subi %sub3A_341, %shift_left3A_331 : i32
      %roll3A_343 = tpu.dynamic_rotate %scan3A_327 by %sub3A_342 dim 1 : vector<1024x128xi32>, i32 -> vector<1024x128xi32>
      %roll3A_344 = tpu.dynamic_rotate %scan3A_327 by %shift_left3A_331 dim 1 : vector<1024x128xi32>, i32 -> vector<1024x128xi32>
      %select_n3A_345 = arith.select %eq3A_336, %roll3A_339, %roll3A_340 : vector<1024x128xi1>, vector<1024x128xf32>
      %select_n3A_346 = arith.select %eq3A_336, %roll3A_343, %roll3A_344 : vector<1024x128xi1>, vector<1024x128xi32>
      %eq3A_347 = arith.xori %eq3A_336, %eq3A_251 : vector<1024x128xi1>
      %eq3A_348 = arith.constant dense<true> : vector<1024x128xi1>
      %eq3A_349 = arith.xori %eq3A_347, %eq3A_348 : vector<1024x128xi1>
      %gt3A_350 = arith.cmpf ogt, %scan3A_326, %select_n3A_345 : vector<1024x128xf32>
      %eq3A_351 = arith.cmpf oeq, %scan3A_326, %select_n3A_345 : vector<1024x128xf32>
      %lt3A_352 = arith.cmpi slt, %scan3A_327, %select_n3A_346 : vector<1024x128xi32>
      %and3A_353 = arith.andi %eq3A_351, %lt3A_352 : vector<1024x128xi1>
      %or3A_354 = arith.ori %gt3A_350, %and3A_353 : vector<1024x128xi1>
      %eq3A_355 = arith.xori %or3A_354, %eq3A_349 : vector<1024x128xi1>
      %eq3A_356 = arith.constant dense<true> : vector<1024x128xi1>
      %eq3A_357 = arith.xori %eq3A_355, %eq3A_356 : vector<1024x128xi1>
      %select_n3A_358 = arith.select %eq3A_357, %scan3A_326, %select_n3A_345 : vector<1024x128xi1>, vector<1024x128xf32>
      %select_n3A_359 = arith.select %eq3A_357, %scan3A_327, %select_n3A_346 : vector<1024x128xi1>, vector<1024x128xi32>
      scf.yield %select_n3A_358, %select_n3A_359 : vector<1024x128xf32>, vector<1024x128xi32>
    }
    %scan3A_263 = arith.constant 7 : i32
    %and3A_264 = arith.constant 16384 : i32
    %and3A_265 = vector.broadcast %and3A_264 : i32 to vector<1024x128xi32>
    %and3A_266 = arith.andi %add3A_19, %and3A_265 : vector<1024x128xi32>
    %eq3A_267 = arith.constant 0 : i32
    %eq3A_268 = vector.broadcast %eq3A_267 : i32 to vector<1024x128xi32>
    %eq3A_269 = arith.cmpi eq, %and3A_266, %eq3A_268 : vector<1024x128xi32>
    %scan3A_270 = arith.constant 0 : i32
    %scan3A_271 = arith.constant 7 : i32
    %scan3A_272 = arith.addi %scan3A_270, %scan3A_271 : i32
    %scan3A_273 = arith.constant 1 : i32
    %scan3A_274:2 = scf.for %scan3A_325 = %scan3A_270 to %scan3A_272 step %scan3A_273 iter_args(%scan3A_326 = %scan3A_262#0, %scan3A_327 = %scan3A_262#1) -> (vector<1024x128xf32>, vector<1024x128xi32>)  : i32 {
      %sub3A_328 = arith.constant 6 : i32
      %sub3A_329 = arith.subi %sub3A_328, %scan3A_325 : i32
      %shift_left3A_330 = arith.constant 1 : i32
      %shift_left3A_331 = arith.shli %shift_left3A_330, %sub3A_329 : i32
      %mul3A_332 = arith.constant 128 : i32
      %mul3A_333 = arith.muli %shift_left3A_331, %mul3A_332 : i32
      %and3A_334 = vector.broadcast %mul3A_333 : i32 to vector<1024x128xi32>
      %and3A_335 = arith.andi %add3A_19, %and3A_334 : vector<1024x128xi32>
      %eq3A_336 = arith.constant 0 : i32
      %eq3A_337 = vector.broadcast %eq3A_336 : i32 to vector<1024x128xi32>
      %eq3A_338 = arith.cmpi eq, %and3A_335, %eq3A_337 : vector<1024x128xi32>
      %sub3A_339 = arith.constant 1024 : i32
      %sub3A_340 = arith.subi %sub3A_339, %shift_left3A_331 : i32
      %roll3A_341 = tpu.dynamic_rotate %scan3A_326 by %sub3A_340 dim 0 : vector<1024x128xf32>, i32 -> vector<1024x128xf32>
      %roll3A_342 = tpu.dynamic_rotate %scan3A_326 by %shift_left3A_331 dim 0 : vector<1024x128xf32>, i32 -> vector<1024x128xf32>
      %sub3A_343 = arith.constant 1024 : i32
      %sub3A_344 = arith.subi %sub3A_343, %shift_left3A_331 : i32
      %roll3A_345 = tpu.dynamic_rotate %scan3A_327 by %sub3A_344 dim 0 : vector<1024x128xi32>, i32 -> vector<1024x128xi32>
      %roll3A_346 = tpu.dynamic_rotate %scan3A_327 by %shift_left3A_331 dim 0 : vector<1024x128xi32>, i32 -> vector<1024x128xi32>
      %select_n3A_347 = arith.select %eq3A_338, %roll3A_341, %roll3A_342 : vector<1024x128xi1>, vector<1024x128xf32>
      %select_n3A_348 = arith.select %eq3A_338, %roll3A_345, %roll3A_346 : vector<1024x128xi1>, vector<1024x128xi32>
      %eq3A_349 = arith.xori %eq3A_338, %eq3A_269 : vector<1024x128xi1>
      %eq3A_350 = arith.constant dense<true> : vector<1024x128xi1>
      %eq3A_351 = arith.xori %eq3A_349, %eq3A_350 : vector<1024x128xi1>
      %gt3A_352 = arith.cmpf ogt, %scan3A_326, %select_n3A_347 : vector<1024x128xf32>
      %eq3A_353 = arith.cmpf oeq, %scan3A_326, %select_n3A_347 : vector<1024x128xf32>
      %lt3A_354 = arith.cmpi slt, %scan3A_327, %select_n3A_348 : vector<1024x128xi32>
      %and3A_355 = arith.andi %eq3A_353, %lt3A_354 : vector<1024x128xi1>
      %or3A_356 = arith.ori %gt3A_352, %and3A_355 : vector<1024x128xi1>
      %eq3A_357 = arith.xori %or3A_356, %eq3A_351 : vector<1024x128xi1>
      %eq3A_358 = arith.constant dense<true> : vector<1024x128xi1>
      %eq3A_359 = arith.xori %eq3A_357, %eq3A_358 : vector<1024x128xi1>
      %select_n3A_360 = arith.select %eq3A_359, %scan3A_326, %select_n3A_347 : vector<1024x128xi1>, vector<1024x128xf32>
      %select_n3A_361 = arith.select %eq3A_359, %scan3A_327, %select_n3A_348 : vector<1024x128xi1>, vector<1024x128xi32>
      scf.yield %select_n3A_360, %select_n3A_361 : vector<1024x128xf32>, vector<1024x128xi32>
    }
    %scan3A_275 = arith.constant 7 : i32
    %scan3A_276 = arith.constant 0 : i32
    %scan3A_277 = arith.constant 7 : i32
    %scan3A_278 = arith.addi %scan3A_276, %scan3A_277 : i32
    %scan3A_279 = arith.constant 1 : i32
    %scan3A_280:2 = scf.for %scan3A_325 = %scan3A_276 to %scan3A_278 step %scan3A_279 iter_args(%scan3A_326 = %scan3A_274#0, %scan3A_327 = %scan3A_274#1) -> (vector<1024x128xf32>, vector<1024x128xi32>)  : i32 {
      %sub3A_328 = arith.constant 6 : i32
      %sub3A_329 = arith.subi %sub3A_328, %scan3A_325 : i32
      %shift_left3A_330 = arith.constant 1 : i32
      %shift_left3A_331 = arith.shli %shift_left3A_330, %sub3A_329 : i32
      %and3A_332 = vector.broadcast %shift_left3A_331 : i32 to vector<1024x128xi32>
      %and3A_333 = arith.andi %add3A_19, %and3A_332 : vector<1024x128xi32>
      %eq3A_334 = arith.constant 0 : i32
      %eq3A_335 = vector.broadcast %eq3A_334 : i32 to vector<1024x128xi32>
      %eq3A_336 = arith.cmpi eq, %and3A_333, %eq3A_335 : vector<1024x128xi32>
      %sub3A_337 = arith.constant 128 : i32
      %sub3A_338 = arith.subi %sub3A_337, %shift_left3A_331 : i32
      %roll3A_339 = tpu.dynamic_rotate %scan3A_326 by %sub3A_338 dim 1 : vector<1024x128xf32>, i32 -> vector<1024x128xf32>
      %roll3A_340 = tpu.dynamic_rotate %scan3A_326 by %shift_left3A_331 dim 1 : vector<1024x128xf32>, i32 -> vector<1024x128xf32>
      %sub3A_341 = arith.constant 128 : i32
      %sub3A_342 = arith.subi %sub3A_341, %shift_left3A_331 : i32
      %roll3A_343 = tpu.dynamic_rotate %scan3A_327 by %sub3A_342 dim 1 : vector<1024x128xi32>, i32 -> vector<1024x128xi32>
      %roll3A_344 = tpu.dynamic_rotate %scan3A_327 by %shift_left3A_331 dim 1 : vector<1024x128xi32>, i32 -> vector<1024x128xi32>
      %select_n3A_345 = arith.select %eq3A_336, %roll3A_339, %roll3A_340 : vector<1024x128xi1>, vector<1024x128xf32>
      %select_n3A_346 = arith.select %eq3A_336, %roll3A_343, %roll3A_344 : vector<1024x128xi1>, vector<1024x128xi32>
      %eq3A_347 = arith.xori %eq3A_336, %eq3A_269 : vector<1024x128xi1>
      %eq3A_348 = arith.constant dense<true> : vector<1024x128xi1>
      %eq3A_349 = arith.xori %eq3A_347, %eq3A_348 : vector<1024x128xi1>
      %gt3A_350 = arith.cmpf ogt, %scan3A_326, %select_n3A_345 : vector<1024x128xf32>
      %eq3A_351 = arith.cmpf oeq, %scan3A_326, %select_n3A_345 : vector<1024x128xf32>
      %lt3A_352 = arith.cmpi slt, %scan3A_327, %select_n3A_346 : vector<1024x128xi32>
      %and3A_353 = arith.andi %eq3A_351, %lt3A_352 : vector<1024x128xi1>
      %or3A_354 = arith.ori %gt3A_350, %and3A_353 : vector<1024x128xi1>
      %eq3A_355 = arith.xori %or3A_354, %eq3A_349 : vector<1024x128xi1>
      %eq3A_356 = arith.constant dense<true> : vector<1024x128xi1>
      %eq3A_357 = arith.xori %eq3A_355, %eq3A_356 : vector<1024x128xi1>
      %select_n3A_358 = arith.select %eq3A_357, %scan3A_326, %select_n3A_345 : vector<1024x128xi1>, vector<1024x128xf32>
      %select_n3A_359 = arith.select %eq3A_357, %scan3A_327, %select_n3A_346 : vector<1024x128xi1>, vector<1024x128xi32>
      scf.yield %select_n3A_358, %select_n3A_359 : vector<1024x128xf32>, vector<1024x128xi32>
    }
    %scan3A_281 = arith.constant 7 : i32
    %and3A_282 = arith.constant 32768 : i32
    %and3A_283 = vector.broadcast %and3A_282 : i32 to vector<1024x128xi32>
    %and3A_284 = arith.andi %add3A_19, %and3A_283 : vector<1024x128xi32>
    %eq3A_285 = arith.constant 0 : i32
    %eq3A_286 = vector.broadcast %eq3A_285 : i32 to vector<1024x128xi32>
    %eq3A_287 = arith.cmpi eq, %and3A_284, %eq3A_286 : vector<1024x128xi32>
    %scan3A_288 = arith.constant 0 : i32
    %scan3A_289 = arith.constant 8 : i32
    %scan3A_290 = arith.addi %scan3A_288, %scan3A_289 : i32
    %scan3A_291 = arith.constant 1 : i32
    %scan3A_292:2 = scf.for %scan3A_325 = %scan3A_288 to %scan3A_290 step %scan3A_291 iter_args(%scan3A_326 = %scan3A_280#0, %scan3A_327 = %scan3A_280#1) -> (vector<1024x128xf32>, vector<1024x128xi32>)  : i32 {
      %sub3A_328 = arith.constant 7 : i32
      %sub3A_329 = arith.subi %sub3A_328, %scan3A_325 : i32
      %shift_left3A_330 = arith.constant 1 : i32
      %shift_left3A_331 = arith.shli %shift_left3A_330, %sub3A_329 : i32
      %mul3A_332 = arith.constant 128 : i32
      %mul3A_333 = arith.muli %shift_left3A_331, %mul3A_332 : i32
      %and3A_334 = vector.broadcast %mul3A_333 : i32 to vector<1024x128xi32>
      %and3A_335 = arith.andi %add3A_19, %and3A_334 : vector<1024x128xi32>
      %eq3A_336 = arith.constant 0 : i32
      %eq3A_337 = vector.broadcast %eq3A_336 : i32 to vector<1024x128xi32>
      %eq3A_338 = arith.cmpi eq, %and3A_335, %eq3A_337 : vector<1024x128xi32>
      %sub3A_339 = arith.constant 1024 : i32
      %sub3A_340 = arith.subi %sub3A_339, %shift_left3A_331 : i32
      %roll3A_341 = tpu.dynamic_rotate %scan3A_326 by %sub3A_340 dim 0 : vector<1024x128xf32>, i32 -> vector<1024x128xf32>
      %roll3A_342 = tpu.dynamic_rotate %scan3A_326 by %shift_left3A_331 dim 0 : vector<1024x128xf32>, i32 -> vector<1024x128xf32>
      %sub3A_343 = arith.constant 1024 : i32
      %sub3A_344 = arith.subi %sub3A_343, %shift_left3A_331 : i32
      %roll3A_345 = tpu.dynamic_rotate %scan3A_327 by %sub3A_344 dim 0 : vector<1024x128xi32>, i32 -> vector<1024x128xi32>
      %roll3A_346 = tpu.dynamic_rotate %scan3A_327 by %shift_left3A_331 dim 0 : vector<1024x128xi32>, i32 -> vector<1024x128xi32>
      %select_n3A_347 = arith.select %eq3A_338, %roll3A_341, %roll3A_342 : vector<1024x128xi1>, vector<1024x128xf32>
      %select_n3A_348 = arith.select %eq3A_338, %roll3A_345, %roll3A_346 : vector<1024x128xi1>, vector<1024x128xi32>
      %eq3A_349 = arith.xori %eq3A_338, %eq3A_287 : vector<1024x128xi1>
      %eq3A_350 = arith.constant dense<true> : vector<1024x128xi1>
      %eq3A_351 = arith.xori %eq3A_349, %eq3A_350 : vector<1024x128xi1>
      %gt3A_352 = arith.cmpf ogt, %scan3A_326, %select_n3A_347 : vector<1024x128xf32>
      %eq3A_353 = arith.cmpf oeq, %scan3A_326, %select_n3A_347 : vector<1024x128xf32>
      %lt3A_354 = arith.cmpi slt, %scan3A_327, %select_n3A_348 : vector<1024x128xi32>
      %and3A_355 = arith.andi %eq3A_353, %lt3A_354 : vector<1024x128xi1>
      %or3A_356 = arith.ori %gt3A_352, %and3A_355 : vector<1024x128xi1>
      %eq3A_357 = arith.xori %or3A_356, %eq3A_351 : vector<1024x128xi1>
      %eq3A_358 = arith.constant dense<true> : vector<1024x128xi1>
      %eq3A_359 = arith.xori %eq3A_357, %eq3A_358 : vector<1024x128xi1>
      %select_n3A_360 = arith.select %eq3A_359, %scan3A_326, %select_n3A_347 : vector<1024x128xi1>, vector<1024x128xf32>
      %select_n3A_361 = arith.select %eq3A_359, %scan3A_327, %select_n3A_348 : vector<1024x128xi1>, vector<1024x128xi32>
      scf.yield %select_n3A_360, %select_n3A_361 : vector<1024x128xf32>, vector<1024x128xi32>
    }
    %scan3A_293 = arith.constant 8 : i32
    %scan3A_294 = arith.constant 0 : i32
    %scan3A_295 = arith.constant 7 : i32
    %scan3A_296 = arith.addi %scan3A_294, %scan3A_295 : i32
    %scan3A_297 = arith.constant 1 : i32
    %scan3A_298:2 = scf.for %scan3A_325 = %scan3A_294 to %scan3A_296 step %scan3A_297 iter_args(%scan3A_326 = %scan3A_292#0, %scan3A_327 = %scan3A_292#1) -> (vector<1024x128xf32>, vector<1024x128xi32>)  : i32 {
      %sub3A_328 = arith.constant 6 : i32
      %sub3A_329 = arith.subi %sub3A_328, %scan3A_325 : i32
      %shift_left3A_330 = arith.constant 1 : i32
      %shift_left3A_331 = arith.shli %shift_left3A_330, %sub3A_329 : i32
      %and3A_332 = vector.broadcast %shift_left3A_331 : i32 to vector<1024x128xi32>
      %and3A_333 = arith.andi %add3A_19, %and3A_332 : vector<1024x128xi32>
      %eq3A_334 = arith.constant 0 : i32
      %eq3A_335 = vector.broadcast %eq3A_334 : i32 to vector<1024x128xi32>
      %eq3A_336 = arith.cmpi eq, %and3A_333, %eq3A_335 : vector<1024x128xi32>
      %sub3A_337 = arith.constant 128 : i32
      %sub3A_338 = arith.subi %sub3A_337, %shift_left3A_331 : i32
      %roll3A_339 = tpu.dynamic_rotate %scan3A_326 by %sub3A_338 dim 1 : vector<1024x128xf32>, i32 -> vector<1024x128xf32>
      %roll3A_340 = tpu.dynamic_rotate %scan3A_326 by %shift_left3A_331 dim 1 : vector<1024x128xf32>, i32 -> vector<1024x128xf32>
      %sub3A_341 = arith.constant 128 : i32
      %sub3A_342 = arith.subi %sub3A_341, %shift_left3A_331 : i32
      %roll3A_343 = tpu.dynamic_rotate %scan3A_327 by %sub3A_342 dim 1 : vector<1024x128xi32>, i32 -> vector<1024x128xi32>
      %roll3A_344 = tpu.dynamic_rotate %scan3A_327 by %shift_left3A_331 dim 1 : vector<1024x128xi32>, i32 -> vector<1024x128xi32>
      %select_n3A_345 = arith.select %eq3A_336, %roll3A_339, %roll3A_340 : vector<1024x128xi1>, vector<1024x128xf32>
      %select_n3A_346 = arith.select %eq3A_336, %roll3A_343, %roll3A_344 : vector<1024x128xi1>, vector<1024x128xi32>
      %eq3A_347 = arith.xori %eq3A_336, %eq3A_287 : vector<1024x128xi1>
      %eq3A_348 = arith.constant dense<true> : vector<1024x128xi1>
      %eq3A_349 = arith.xori %eq3A_347, %eq3A_348 : vector<1024x128xi1>
      %gt3A_350 = arith.cmpf ogt, %scan3A_326, %select_n3A_345 : vector<1024x128xf32>
      %eq3A_351 = arith.cmpf oeq, %scan3A_326, %select_n3A_345 : vector<1024x128xf32>
      %lt3A_352 = arith.cmpi slt, %scan3A_327, %select_n3A_346 : vector<1024x128xi32>
      %and3A_353 = arith.andi %eq3A_351, %lt3A_352 : vector<1024x128xi1>
      %or3A_354 = arith.ori %gt3A_350, %and3A_353 : vector<1024x128xi1>
      %eq3A_355 = arith.xori %or3A_354, %eq3A_349 : vector<1024x128xi1>
      %eq3A_356 = arith.constant dense<true> : vector<1024x128xi1>
      %eq3A_357 = arith.xori %eq3A_355, %eq3A_356 : vector<1024x128xi1>
      %select_n3A_358 = arith.select %eq3A_357, %scan3A_326, %select_n3A_345 : vector<1024x128xi1>, vector<1024x128xf32>
      %select_n3A_359 = arith.select %eq3A_357, %scan3A_327, %select_n3A_346 : vector<1024x128xi1>, vector<1024x128xi32>
      scf.yield %select_n3A_358, %select_n3A_359 : vector<1024x128xf32>, vector<1024x128xi32>
    }
    %scan3A_299 = arith.constant 7 : i32
    %slice3A = vector.extract_strided_slice %scan3A_298#0 {offsets = [0, 0], sizes = [16, 128], strides = [1, 1]} : vector<1024x128xf32> to vector<16x128xf32>
    %slice3A_300 = vector.extract_strided_slice %scan3A_298#0 {offsets = [256, 0], sizes = [16, 128], strides = [1, 1]} : vector<1024x128xf32> to vector<16x128xf32>
    %slice3A_301 = vector.extract_strided_slice %scan3A_298#0 {offsets = [512, 0], sizes = [16, 128], strides = [1, 1]} : vector<1024x128xf32> to vector<16x128xf32>
    %slice3A_302 = vector.extract_strided_slice %scan3A_298#0 {offsets = [768, 0], sizes = [16, 128], strides = [1, 1]} : vector<1024x128xf32> to vector<16x128xf32>
    %slice3A_303 = vector.extract_strided_slice %scan3A_298#1 {offsets = [0, 0], sizes = [16, 128], strides = [1, 1]} : vector<1024x128xi32> to vector<16x128xi32>
    %add3A_304 = arith.constant 0 : i32
    %add3A_305 = vector.broadcast %add3A_304 : i32 to vector<16x128xi32>
    %add3A_306 = arith.addi %slice3A_303, %add3A_305 : vector<16x128xi32>
    %slice3A_307 = vector.extract_strided_slice %scan3A_298#1 {offsets = [256, 0], sizes = [16, 128], strides = [1, 1]} : vector<1024x128xi32> to vector<16x128xi32>
    %add3A_308 = arith.constant 20000 : i32
    %add3A_309 = vector.broadcast %add3A_308 : i32 to vector<16x128xi32>
    %add3A_310 = arith.addi %slice3A_307, %add3A_309 : vector<16x128xi32>
    %slice3A_311 = vector.extract_strided_slice %scan3A_298#1 {offsets = [512, 0], sizes = [16, 128], strides = [1, 1]} : vector<1024x128xi32> to vector<16x128xi32>
    %add3A_312 = arith.constant 40000 : i32
    %add3A_313 = vector.broadcast %add3A_312 : i32 to vector<16x128xi32>
    %add3A_314 = arith.addi %slice3A_311, %add3A_313 : vector<16x128xi32>
    %slice3A_315 = vector.extract_strided_slice %scan3A_298#1 {offsets = [768, 0], sizes = [16, 128], strides = [1, 1]} : vector<1024x128xi32> to vector<16x128xi32>
    %add3A_316 = arith.constant 60000 : i32
    %add3A_317 = vector.broadcast %add3A_316 : i32 to vector<16x128xi32>
    %add3A_318 = arith.addi %slice3A_315, %add3A_317 : vector<16x128xi32>
    %concatenate3A = tpu.concatenate %slice3A, %slice3A_300, %slice3A_301, %slice3A_302 in 0 : vector<16x128xf32>, vector<16x128xf32>, vector<16x128xf32>, vector<16x128xf32> -> vector<64x128xf32>
    %swap3A = arith.constant 0 : index
    %swap3A_319 = arith.constant 0 : index
    %swap3A_320 = vector.load %arg1[%swap3A, %swap3A_319] : memref<64x128xf32, #tpu.memory_space<vmem>>, vector<64x128xf32>
    tpu.vector_store %arg1[%swap3A, %swap3A_319], %concatenate3A {strides = array<i32>} : memref<64x128xf32, #tpu.memory_space<vmem>>, vector<64x128xf32>,
    %concatenate3A_321 = tpu.concatenate %add3A_306, %add3A_310, %add3A_314, %add3A_318 in 0 : vector<16x128xi32>, vector<16x128xi32>, vector<16x128xi32>, vector<16x128xi32> -> vector<64x128xi32>
    %swap3A_322 = arith.constant 0 : index
    %swap3A_323 = arith.constant 0 : index
    %swap3A_324 = vector.load %arg2[%swap3A_322, %swap3A_323] : memref<64x128xi32, #tpu.memory_space<vmem>>, vector<64x128xi32>
    tpu.vector_store %arg2[%swap3A_322, %swap3A_323], %concatenate3A_321 {strides = array<i32>} : memref<64x128xi32, #tpu.memory_space<vmem>>, vector<64x128xi32>,
    return
  }
}

module attributes {stable_mosaic.version = 14 : i64} {
  func.func @_nms_body(%arg0: i32, %arg1: memref<1x8x2048xf32, #tpu.memory_space<vmem>>, %arg2: memref<1x1024x4xf32, #tpu.memory_space<vmem>>, %arg3: memref<1x1024x1xf32, #tpu.memory_space<vmem>>) attributes {dimension_semantics = [#tpu.dimension_semantics<arbitrary>], iteration_bounds = array<i64: 4>, scalar_prefetch = 0 : i64, scratch_operands = 0 : i64, tpu.core_type = #tpu.core_type<tc>, window_params = [{transform_indices = @transform_0, window_bounds = array<i64: 1, 8, 2048>}, {transform_indices = @transform_1, window_bounds = array<i64: 1, 1024, 4>}, {transform_indices = @transform_2, window_bounds = array<i64: 1, 1024, 1>}]} {
    %get3A = arith.constant 0 : index
    %get3A_0 = arith.constant 0 : index
    %get3A_1 = arith.constant 0 : index
    %get3A_2 = vector.load %arg1[%get3A, %get3A_0, %get3A_1] : memref<1x8x2048xf32, #tpu.memory_space<vmem>>, vector<1x8x2048xf32>
    %squeeze3A = vector.shape_cast %get3A_2 : vector<1x8x2048xf32> to vector<8x2048xf32>
    %transpose3A = tpu.transpose %squeeze3A, [1, 0] : vector<8x2048xf32> -> vector<2048x8xf32>
    %slice3A = vector.extract_strided_slice %transpose3A {offsets = [0, 0], sizes = [2048, 1], strides = [1, 1]} : vector<2048x8xf32> to vector<2048x1xf32>
    %jit3A = arith.constant 0.000000e+00 : f32
    %jit3A_3 = arith.constant 8.000000e+02 : f32
    %max3A = vector.broadcast %jit3A : f32 to vector<2048x1xf32>
    %max3A_4 = arith.maximumf %max3A, %slice3A : vector<2048x1xf32>
    %min3A = vector.broadcast %jit3A_3 : f32 to vector<2048x1xf32>
    %min3A_5 = arith.minimumf %min3A, %max3A_4 : vector<2048x1xf32>
    %slice3A_6 = vector.extract_strided_slice %transpose3A {offsets = [0, 1], sizes = [2048, 1], strides = [1, 1]} : vector<2048x8xf32> to vector<2048x1xf32>
    %jit3A_7 = arith.constant 0.000000e+00 : f32
    %jit3A_8 = arith.constant 8.000000e+02 : f32
    %max3A_9 = vector.broadcast %jit3A_7 : f32 to vector<2048x1xf32>
    %max3A_10 = arith.maximumf %max3A_9, %slice3A_6 : vector<2048x1xf32>
    %min3A_11 = vector.broadcast %jit3A_8 : f32 to vector<2048x1xf32>
    %min3A_12 = arith.minimumf %min3A_11, %max3A_10 : vector<2048x1xf32>
    %slice3A_13 = vector.extract_strided_slice %transpose3A {offsets = [0, 2], sizes = [2048, 1], strides = [1, 1]} : vector<2048x8xf32> to vector<2048x1xf32>
    %jit3A_14 = arith.constant 0.000000e+00 : f32
    %jit3A_15 = arith.constant 8.000000e+02 : f32
    %max3A_16 = vector.broadcast %jit3A_14 : f32 to vector<2048x1xf32>
    %max3A_17 = arith.maximumf %max3A_16, %slice3A_13 : vector<2048x1xf32>
    %min3A_18 = vector.broadcast %jit3A_15 : f32 to vector<2048x1xf32>
    %min3A_19 = arith.minimumf %min3A_18, %max3A_17 : vector<2048x1xf32>
    %slice3A_20 = vector.extract_strided_slice %transpose3A {offsets = [0, 3], sizes = [2048, 1], strides = [1, 1]} : vector<2048x8xf32> to vector<2048x1xf32>
    %jit3A_21 = arith.constant 0.000000e+00 : f32
    %jit3A_22 = arith.constant 8.000000e+02 : f32
    %max3A_23 = vector.broadcast %jit3A_21 : f32 to vector<2048x1xf32>
    %max3A_24 = arith.maximumf %max3A_23, %slice3A_20 : vector<2048x1xf32>
    %min3A_25 = vector.broadcast %jit3A_22 : f32 to vector<2048x1xf32>
    %min3A_26 = arith.minimumf %min3A_25, %max3A_24 : vector<2048x1xf32>
    %slice3A_27 = vector.extract_strided_slice %transpose3A {offsets = [0, 4], sizes = [2048, 1], strides = [1, 1]} : vector<2048x8xf32> to vector<2048x1xf32>
    %slice3A_28 = vector.extract_strided_slice %squeeze3A {offsets = [0, 0], sizes = [1, 2048], strides = [1, 1]} : vector<8x2048xf32> to vector<1x2048xf32>
    %jit3A_29 = arith.constant 0.000000e+00 : f32
    %jit3A_30 = arith.constant 8.000000e+02 : f32
    %max3A_31 = vector.broadcast %jit3A_29 : f32 to vector<1x2048xf32>
    %max3A_32 = arith.maximumf %max3A_31, %slice3A_28 : vector<1x2048xf32>
    %min3A_33 = vector.broadcast %jit3A_30 : f32 to vector<1x2048xf32>
    %min3A_34 = arith.minimumf %min3A_33, %max3A_32 : vector<1x2048xf32>
    %slice3A_35 = vector.extract_strided_slice %squeeze3A {offsets = [1, 0], sizes = [1, 2048], strides = [1, 1]} : vector<8x2048xf32> to vector<1x2048xf32>
    %jit3A_36 = arith.constant 0.000000e+00 : f32
    %jit3A_37 = arith.constant 8.000000e+02 : f32
    %max3A_38 = vector.broadcast %jit3A_36 : f32 to vector<1x2048xf32>
    %max3A_39 = arith.maximumf %max3A_38, %slice3A_35 : vector<1x2048xf32>
    %min3A_40 = vector.broadcast %jit3A_37 : f32 to vector<1x2048xf32>
    %min3A_41 = arith.minimumf %min3A_40, %max3A_39 : vector<1x2048xf32>
    %slice3A_42 = vector.extract_strided_slice %squeeze3A {offsets = [2, 0], sizes = [1, 2048], strides = [1, 1]} : vector<8x2048xf32> to vector<1x2048xf32>
    %jit3A_43 = arith.constant 0.000000e+00 : f32
    %jit3A_44 = arith.constant 8.000000e+02 : f32
    %max3A_45 = vector.broadcast %jit3A_43 : f32 to vector<1x2048xf32>
    %max3A_46 = arith.maximumf %max3A_45, %slice3A_42 : vector<1x2048xf32>
    %min3A_47 = vector.broadcast %jit3A_44 : f32 to vector<1x2048xf32>
    %min3A_48 = arith.minimumf %min3A_47, %max3A_46 : vector<1x2048xf32>
    %slice3A_49 = vector.extract_strided_slice %squeeze3A {offsets = [3, 0], sizes = [1, 2048], strides = [1, 1]} : vector<8x2048xf32> to vector<1x2048xf32>
    %jit3A_50 = arith.constant 0.000000e+00 : f32
    %jit3A_51 = arith.constant 8.000000e+02 : f32
    %max3A_52 = vector.broadcast %jit3A_50 : f32 to vector<1x2048xf32>
    %max3A_53 = arith.maximumf %max3A_52, %slice3A_49 : vector<1x2048xf32>
    %min3A_54 = vector.broadcast %jit3A_51 : f32 to vector<1x2048xf32>
    %min3A_55 = arith.minimumf %min3A_54, %max3A_53 : vector<1x2048xf32>
    %iota3A = tpu.iota {dimensions = array<i32: 0>} : vector<2048x1xi32>
    %iota3A_56 = tpu.iota {dimensions = array<i32: 1>} : vector<1x2048xi32>
    %sub3A = arith.subf %min3A_48, %min3A_34 : vector<1x2048xf32>
    %sub3A_57 = arith.subf %min3A_55, %min3A_41 : vector<1x2048xf32>
    %ge3A = arith.constant 1.000000e+00 : f32
    %ge3A_58 = vector.broadcast %ge3A : f32 to vector<1x2048xf32>
    %ge3A_59 = arith.cmpf oge, %sub3A, %ge3A_58 : vector<1x2048xf32>
    %ge3A_60 = arith.constant 1.000000e+00 : f32
    %ge3A_61 = vector.broadcast %ge3A_60 : f32 to vector<1x2048xf32>
    %ge3A_62 = arith.cmpf oge, %sub3A_57, %ge3A_61 : vector<1x2048xf32>
    %and3A = arith.andi %ge3A_59, %ge3A_62 : vector<1x2048xi1>
    %lt3A = arith.constant 2000 : i32
    %lt3A_63 = vector.broadcast %lt3A : i32 to vector<1x2048xi32>
    %lt3A_64 = arith.cmpi slt, %iota3A_56, %lt3A_63 : vector<1x2048xi32>
    %and3A_65 = arith.andi %and3A, %lt3A_64 : vector<1x2048xi1>
    %sub3A_66 = arith.subf %min3A_19, %min3A_5 : vector<2048x1xf32>
    %sub3A_67 = arith.subf %min3A_26, %min3A_12 : vector<2048x1xf32>
    %mul3A = arith.mulf %sub3A_66, %sub3A_67 : vector<2048x1xf32>
    %mul3A_68 = arith.mulf %sub3A, %sub3A_57 : vector<1x2048xf32>
    %min3A_69 = vector.broadcast %min3A_19 : vector<2048x1xf32> to vector<2048x2048xf32>
    %min3A_70 = vector.broadcast %min3A_48 : vector<1x2048xf32> to vector<2048x2048xf32>
    %min3A_71 = arith.minimumf %min3A_69, %min3A_70 : vector<2048x2048xf32>
    %max3A_72 = vector.broadcast %min3A_5 : vector<2048x1xf32> to vector<2048x2048xf32>
    %max3A_73 = vector.broadcast %min3A_34 : vector<1x2048xf32> to vector<2048x2048xf32>
    %max3A_74 = arith.maximumf %max3A_72, %max3A_73 : vector<2048x2048xf32>
    %sub3A_75 = arith.subf %min3A_71, %max3A_74 : vector<2048x2048xf32>
    %max3A_76 = arith.constant 0.000000e+00 : f32
    %max3A_77 = vector.broadcast %max3A_76 : f32 to vector<2048x2048xf32>
    %max3A_78 = arith.maximumf %sub3A_75, %max3A_77 : vector<2048x2048xf32>
    %min3A_79 = vector.broadcast %min3A_26 : vector<2048x1xf32> to vector<2048x2048xf32>
    %min3A_80 = vector.broadcast %min3A_55 : vector<1x2048xf32> to vector<2048x2048xf32>
    %min3A_81 = arith.minimumf %min3A_79, %min3A_80 : vector<2048x2048xf32>
    %max3A_82 = vector.broadcast %min3A_12 : vector<2048x1xf32> to vector<2048x2048xf32>
    %max3A_83 = vector.broadcast %min3A_41 : vector<1x2048xf32> to vector<2048x2048xf32>
    %max3A_84 = arith.maximumf %max3A_82, %max3A_83 : vector<2048x2048xf32>
    %sub3A_85 = arith.subf %min3A_81, %max3A_84 : vector<2048x2048xf32>
    %max3A_86 = arith.constant 0.000000e+00 : f32
    %max3A_87 = vector.broadcast %max3A_86 : f32 to vector<2048x2048xf32>
    %max3A_88 = arith.maximumf %sub3A_85, %max3A_87 : vector<2048x2048xf32>
    %mul3A_89 = arith.mulf %max3A_78, %max3A_88 : vector<2048x2048xf32>
    %add3A = vector.broadcast %mul3A : vector<2048x1xf32> to vector<2048x2048xf32>
    %add3A_90 = vector.broadcast %mul3A_68 : vector<1x2048xf32> to vector<2048x2048xf32>
    %add3A_91 = arith.addf %add3A, %add3A_90 : vector<2048x2048xf32>
    %sub3A_92 = arith.subf %add3A_91, %mul3A_89 : vector<2048x2048xf32>
    %add3A_93 = arith.constant 9.99999971E-10 : f32
    %add3A_94 = vector.broadcast %add3A_93 : f32 to vector<2048x2048xf32>
    %add3A_95 = arith.addf %sub3A_92, %add3A_94 : vector<2048x2048xf32>
    %div3A = arith.divf %mul3A_89, %add3A_95 : vector<2048x2048xf32>
    %gt3A = arith.constant 0.699999988 : f32
    %gt3A_96 = vector.broadcast %gt3A : f32 to vector<2048x2048xf32>
    %gt3A_97 = arith.cmpf ogt, %div3A, %gt3A_96 : vector<2048x2048xf32>
    %gt3A_98 = vector.broadcast %iota3A_56 : vector<1x2048xi32> to vector<2048x2048xi32>
    %gt3A_99 = vector.broadcast %iota3A : vector<2048x1xi32> to vector<2048x2048xi32>
    %gt3A_100 = arith.cmpi sgt, %gt3A_98, %gt3A_99 : vector<2048x2048xi32>
    %and3A_101 = arith.andi %gt3A_97, %gt3A_100 : vector<2048x2048xi1>
    %jit3A_102 = arith.constant 1.000000e+00 : f32
    %jit3A_103 = arith.constant 0.000000e+00 : f32
    %broadcast_in_dim3A = vector.broadcast %jit3A_102 : f32 to vector<2048x2048xf32>
    %broadcast_in_dim3A_104 = vector.broadcast %jit3A_103 : f32 to vector<2048x2048xf32>
    %select_n3A = arith.select %and3A_101, %broadcast_in_dim3A, %broadcast_in_dim3A_104 : vector<2048x2048xi1>, vector<2048x2048xf32>
    %jit3A_105 = arith.constant 1.000000e+00 : f32
    %jit3A_106 = arith.constant 0.000000e+00 : f32
    %broadcast_in_dim3A_107 = vector.broadcast %jit3A_105 : f32 to vector<1x2048xf32>
    %broadcast_in_dim3A_108 = vector.broadcast %jit3A_106 : f32 to vector<1x2048xf32>
    %select_n3A_109 = arith.select %and3A_65, %broadcast_in_dim3A_107, %broadcast_in_dim3A_108 : vector<1x2048xi1>, vector<1x2048xf32>
    %while3A = arith.constant true
    %while3A_110 = arith.constant 0 : i32
    %while3A_111:3 = scf.while (%while3A_203 = %select_n3A_109, %while3A_204 = %while3A, %while3A_205 = %while3A_110) : (vector<1x2048xf32>, i1, i32) -> (vector<1x2048xf32>, i1, i32) {
      %lt3A_206 = arith.constant 2048 : i32
      %lt3A_207 = arith.cmpi slt, %while3A_205, %lt3A_206 : i32
      %and3A_208 = arith.andi %while3A_204, %lt3A_207 : i1
      scf.condition(%and3A_208) %while3A_203, %while3A_204, %while3A_205 : vector<1x2048xf32>, i1, i32
    } do {
    ^bb0(%while3A_203: vector<1x2048xf32>, %while3A_204: i1, %while3A_205: i32):
      %dot_general3A_206 = arith.constant dense<0.000000e+00> : vector<1x2048xf32>
      %dot_general3A_207 = tpu.matmul %while3A_203, %select_n3A, %dot_general3A_206 {dimension_numbers = #tpu.dot_dimension_numbers<[1], [0], [0], [1], [0, 0, 1, 1], [], []>, transpose_lhs_hint = false} : vector<1x2048xf32>, vector<2048x2048xf32>, vector<1x2048xf32> -> vector<1x2048xf32>
      %lt3A_208 = arith.constant 5.000000e-01 : f32
      %lt3A_209 = vector.broadcast %lt3A_208 : f32 to vector<1x2048xf32>
      %lt3A_210 = arith.cmpf olt, %dot_general3A_207, %lt3A_209 : vector<1x2048xf32>
      %jit3A_211 = arith.constant 1.000000e+00 : f32
      %jit3A_212 = arith.constant 0.000000e+00 : f32
      %broadcast_in_dim3A_213 = vector.broadcast %jit3A_211 : f32 to vector<1x2048xf32>
      %broadcast_in_dim3A_214 = vector.broadcast %jit3A_212 : f32 to vector<1x2048xf32>
      %select_n3A_215 = arith.select %lt3A_210, %broadcast_in_dim3A_213, %broadcast_in_dim3A_214 : vector<1x2048xi1>, vector<1x2048xf32>
      %mul3A_216 = arith.mulf %select_n3A_109, %select_n3A_215 : vector<1x2048xf32>
      %ne3A = arith.cmpf one, %mul3A_216, %while3A_203 : vector<1x2048xf32>
      %reduce_or3A = arith.constant 1.000000e+00 : f32
      %reduce_or3A_217 = arith.constant 0.000000e+00 : f32
      %reduce_or3A_218 = vector.broadcast %reduce_or3A : f32 to vector<1x2048xf32>
      %reduce_or3A_219 = vector.broadcast %reduce_or3A_217 : f32 to vector<1x2048xf32>
      %reduce_or3A_220 = arith.select %ne3A, %reduce_or3A_218, %reduce_or3A_219 : vector<1x2048xi1>, vector<1x2048xf32>
      %reduce_or3A_221 = vector.shape_cast %reduce_or3A_220 : vector<1x2048xf32> to vector<1x1x2048xf32>
      %reduce_or3A_222 = arith.constant dense<0xFF800000> : vector<1xf32>
      %reduce_or3A_223 = vector.multi_reduction <maximumf>, %reduce_or3A_221, %reduce_or3A_222 [1, 2] : vector<1x1x2048xf32> to vector<1xf32>
      %reduce_or3A_224 = vector.shape_cast %reduce_or3A_223 : vector<1xf32> to vector<1x1x1xf32>
      %reduce_or3A_225 = vector.extract %reduce_or3A_224[0, 0, 0] : f32 from vector<1x1x1xf32>
      %reduce_or3A_226 = arith.constant 0.000000e+00 : f32
      %reduce_or3A_227 = arith.cmpf ogt, %reduce_or3A_225, %reduce_or3A_226 : f32
      %add3A_228 = arith.constant 1 : i32
      %add3A_229 = arith.addi %while3A_205, %add3A_228 : i32
      scf.yield %mul3A_216, %reduce_or3A_227, %add3A_229 : vector<1x2048xf32>, i1, i32
    }
    %broadcast_in_dim3A_112 = arith.constant 0.000000e+00 : f32
    %broadcast_in_dim3A_113 = vector.broadcast %broadcast_in_dim3A_112 : f32 to vector<1x1xf32>
    %slice3A_114 = vector.extract_strided_slice %while3A_111#0 {offsets = [0, 0], sizes = [1, 2047], strides = [1, 1]} : vector<1x2048xf32> to vector<1x2047xf32>
    %concatenate3A = tpu.concatenate %broadcast_in_dim3A_113, %slice3A_114 in 1 : vector<1x1xf32>, vector<1x2047xf32> -> vector<1x2048xf32>
    %add3A_115 = arith.addf %while3A_111#0, %concatenate3A : vector<1x2048xf32>
    %broadcast_in_dim3A_116 = arith.constant 0.000000e+00 : f32
    %broadcast_in_dim3A_117 = vector.broadcast %broadcast_in_dim3A_116 : f32 to vector<1x2xf32>
    %slice3A_118 = vector.extract_strided_slice %add3A_115 {offsets = [0, 0], sizes = [1, 2046], strides = [1, 1]} : vector<1x2048xf32> to vector<1x2046xf32>
    %concatenate3A_119 = tpu.concatenate %broadcast_in_dim3A_117, %slice3A_118 in 1 : vector<1x2xf32>, vector<1x2046xf32> -> vector<1x2048xf32>
    %add3A_120 = arith.addf %add3A_115, %concatenate3A_119 : vector<1x2048xf32>
    %broadcast_in_dim3A_121 = arith.constant 0.000000e+00 : f32
    %broadcast_in_dim3A_122 = vector.broadcast %broadcast_in_dim3A_121 : f32 to vector<1x4xf32>
    %slice3A_123 = vector.extract_strided_slice %add3A_120 {offsets = [0, 0], sizes = [1, 2044], strides = [1, 1]} : vector<1x2048xf32> to vector<1x2044xf32>
    %concatenate3A_124 = tpu.concatenate %broadcast_in_dim3A_122, %slice3A_123 in 1 : vector<1x4xf32>, vector<1x2044xf32> -> vector<1x2048xf32>
    %add3A_125 = arith.addf %add3A_120, %concatenate3A_124 : vector<1x2048xf32>
    %broadcast_in_dim3A_126 = arith.constant 0.000000e+00 : f32
    %broadcast_in_dim3A_127 = vector.broadcast %broadcast_in_dim3A_126 : f32 to vector<1x8xf32>
    %slice3A_128 = vector.extract_strided_slice %add3A_125 {offsets = [0, 0], sizes = [1, 2040], strides = [1, 1]} : vector<1x2048xf32> to vector<1x2040xf32>
    %concatenate3A_129 = tpu.concatenate %broadcast_in_dim3A_127, %slice3A_128 in 1 : vector<1x8xf32>, vector<1x2040xf32> -> vector<1x2048xf32>
    %add3A_130 = arith.addf %add3A_125, %concatenate3A_129 : vector<1x2048xf32>
    %broadcast_in_dim3A_131 = arith.constant 0.000000e+00 : f32
    %broadcast_in_dim3A_132 = vector.broadcast %broadcast_in_dim3A_131 : f32 to vector<1x16xf32>
    %slice3A_133 = vector.extract_strided_slice %add3A_130 {offsets = [0, 0], sizes = [1, 2032], strides = [1, 1]} : vector<1x2048xf32> to vector<1x2032xf32>
    %concatenate3A_134 = tpu.concatenate %broadcast_in_dim3A_132, %slice3A_133 in 1 : vector<1x16xf32>, vector<1x2032xf32> -> vector<1x2048xf32>
    %add3A_135 = arith.addf %add3A_130, %concatenate3A_134 : vector<1x2048xf32>
    %broadcast_in_dim3A_136 = arith.constant 0.000000e+00 : f32
    %broadcast_in_dim3A_137 = vector.broadcast %broadcast_in_dim3A_136 : f32 to vector<1x32xf32>
    %slice3A_138 = vector.extract_strided_slice %add3A_135 {offsets = [0, 0], sizes = [1, 2016], strides = [1, 1]} : vector<1x2048xf32> to vector<1x2016xf32>
    %concatenate3A_139 = tpu.concatenate %broadcast_in_dim3A_137, %slice3A_138 in 1 : vector<1x32xf32>, vector<1x2016xf32> -> vector<1x2048xf32>
    %add3A_140 = arith.addf %add3A_135, %concatenate3A_139 : vector<1x2048xf32>
    %broadcast_in_dim3A_141 = arith.constant 0.000000e+00 : f32
    %broadcast_in_dim3A_142 = vector.broadcast %broadcast_in_dim3A_141 : f32 to vector<1x64xf32>
    %slice3A_143 = vector.extract_strided_slice %add3A_140 {offsets = [0, 0], sizes = [1, 1984], strides = [1, 1]} : vector<1x2048xf32> to vector<1x1984xf32>
    %concatenate3A_144 = tpu.concatenate %broadcast_in_dim3A_142, %slice3A_143 in 1 : vector<1x64xf32>, vector<1x1984xf32> -> vector<1x2048xf32>
    %add3A_145 = arith.addf %add3A_140, %concatenate3A_144 : vector<1x2048xf32>
    %broadcast_in_dim3A_146 = arith.constant 0.000000e+00 : f32
    %broadcast_in_dim3A_147 = vector.broadcast %broadcast_in_dim3A_146 : f32 to vector<1x128xf32>
    %slice3A_148 = vector.extract_strided_slice %add3A_145 {offsets = [0, 0], sizes = [1, 1920], strides = [1, 1]} : vector<1x2048xf32> to vector<1x1920xf32>
    %concatenate3A_149 = tpu.concatenate %broadcast_in_dim3A_147, %slice3A_148 in 1 : vector<1x128xf32>, vector<1x1920xf32> -> vector<1x2048xf32>
    %add3A_150 = arith.addf %add3A_145, %concatenate3A_149 : vector<1x2048xf32>
    %broadcast_in_dim3A_151 = arith.constant 0.000000e+00 : f32
    %broadcast_in_dim3A_152 = vector.broadcast %broadcast_in_dim3A_151 : f32 to vector<1x256xf32>
    %slice3A_153 = vector.extract_strided_slice %add3A_150 {offsets = [0, 0], sizes = [1, 1792], strides = [1, 1]} : vector<1x2048xf32> to vector<1x1792xf32>
    %concatenate3A_154 = tpu.concatenate %broadcast_in_dim3A_152, %slice3A_153 in 1 : vector<1x256xf32>, vector<1x1792xf32> -> vector<1x2048xf32>
    %add3A_155 = arith.addf %add3A_150, %concatenate3A_154 : vector<1x2048xf32>
    %broadcast_in_dim3A_156 = arith.constant 0.000000e+00 : f32
    %broadcast_in_dim3A_157 = vector.broadcast %broadcast_in_dim3A_156 : f32 to vector<1x512xf32>
    %slice3A_158 = vector.extract_strided_slice %add3A_155 {offsets = [0, 0], sizes = [1, 1536], strides = [1, 1]} : vector<1x2048xf32> to vector<1x1536xf32>
    %concatenate3A_159 = tpu.concatenate %broadcast_in_dim3A_157, %slice3A_158 in 1 : vector<1x512xf32>, vector<1x1536xf32> -> vector<1x2048xf32>
    %add3A_160 = arith.addf %add3A_155, %concatenate3A_159 : vector<1x2048xf32>
    %broadcast_in_dim3A_161 = arith.constant 0.000000e+00 : f32
    %broadcast_in_dim3A_162 = vector.broadcast %broadcast_in_dim3A_161 : f32 to vector<1x1024xf32>
    %slice3A_163 = vector.extract_strided_slice %add3A_160 {offsets = [0, 0], sizes = [1, 1024], strides = [1, 1]} : vector<1x2048xf32> to vector<1x1024xf32>
    %concatenate3A_164 = tpu.concatenate %broadcast_in_dim3A_162, %slice3A_163 in 1 : vector<1x1024xf32>, vector<1x1024xf32> -> vector<1x2048xf32>
    %add3A_165 = arith.addf %add3A_160, %concatenate3A_164 : vector<1x2048xf32>
    %sub3A_166 = arith.constant 1.000000e+00 : f32
    %sub3A_167 = vector.broadcast %sub3A_166 : f32 to vector<1x2048xf32>
    %sub3A_168 = arith.subf %add3A_165, %sub3A_167 : vector<1x2048xf32>
    %iota3A_169 = tpu.iota {dimensions = array<i32: 0>} : vector<1024x1xi32>
    %convert_element_type3A = arith.sitofp %iota3A_169 : vector<1024x1xi32> to vector<1024x1xf32>
    %gt3A_170 = arith.constant 5.000000e-01 : f32
    %gt3A_171 = vector.broadcast %gt3A_170 : f32 to vector<1x2048xf32>
    %gt3A_172 = arith.cmpf ogt, %while3A_111#0, %gt3A_171 : vector<1x2048xf32>
    %eq3A = vector.broadcast %sub3A_168 : vector<1x2048xf32> to vector<1024x2048xf32>
    %eq3A_173 = vector.broadcast %convert_element_type3A : vector<1024x1xf32> to vector<1024x2048xf32>
    %eq3A_174 = arith.cmpf oeq, %eq3A, %eq3A_173 : vector<1024x2048xf32>
    %and3A_175 = vector.broadcast %gt3A_172 : vector<1x2048xi1> to vector<1024x2048xi1>
    %and3A_176 = arith.andi %and3A_175, %eq3A_174 : vector<1024x2048xi1>
    %jit3A_177 = arith.constant 1.000000e+00 : f32
    %jit3A_178 = arith.constant 0.000000e+00 : f32
    %broadcast_in_dim3A_179 = vector.broadcast %jit3A_177 : f32 to vector<1024x2048xf32>
    %broadcast_in_dim3A_180 = vector.broadcast %jit3A_178 : f32 to vector<1024x2048xf32>
    %select_n3A_181 = arith.select %and3A_176, %broadcast_in_dim3A_179, %broadcast_in_dim3A_180 : vector<1024x2048xi1>, vector<1024x2048xf32>
    %concatenate3A_182 = tpu.concatenate %min3A_5, %min3A_12, %min3A_19, %min3A_26 in 1 : vector<2048x1xf32>, vector<2048x1xf32>, vector<2048x1xf32>, vector<2048x1xf32> -> vector<2048x4xf32>
    %neg3A = arith.constant 0.000000e+00 : f32
    %neg3A_183 = vector.broadcast %neg3A : f32 to vector<2048x1xf32>
    %neg3A_184 = arith.subf %neg3A_183, %slice3A_27 : vector<2048x1xf32>
    %exp3A = math.exp %neg3A_184 : vector<2048x1xf32>
    %add3A_185 = arith.constant 1.000000e+00 : f32
    %add3A_186 = vector.broadcast %add3A_185 : f32 to vector<2048x1xf32>
    %add3A_187 = arith.addf %add3A_186, %exp3A : vector<2048x1xf32>
    %div3A_188 = arith.constant 1.000000e+00 : f32
    %div3A_189 = vector.broadcast %div3A_188 : f32 to vector<2048x1xf32>
    %div3A_190 = arith.divf %div3A_189, %add3A_187 : vector<2048x1xf32>
    %dot_general3A = arith.constant dense<0.000000e+00> : vector<1024x4xf32>
    %dot_general3A_191 = tpu.matmul %select_n3A_181, %concatenate3A_182, %dot_general3A {dimension_numbers = #tpu.dot_dimension_numbers<[1], [0], [0], [1], [0, 0, 1, 1], [], []>, transpose_lhs_hint = false} : vector<1024x2048xf32>, vector<2048x4xf32>, vector<1024x4xf32> -> vector<1024x4xf32>
    %dot_general3A_192 = arith.constant dense<0.000000e+00> : vector<1024x1xf32>
    %dot_general3A_193 = tpu.matmul %select_n3A_181, %div3A_190, %dot_general3A_192 {dimension_numbers = #tpu.dot_dimension_numbers<[1], [0], [0], [1], [0, 0, 1, 1], [], []>, transpose_lhs_hint = false} : vector<1024x2048xf32>, vector<2048x1xf32>, vector<1024x1xf32> -> vector<1024x1xf32>
    %broadcast_in_dim3A_194 = vector.shape_cast %dot_general3A_191 : vector<1024x4xf32> to vector<1x1024x4xf32>
    %swap3A = arith.constant 0 : index
    %swap3A_195 = arith.constant 0 : index
    %swap3A_196 = arith.constant 0 : index
    %swap3A_197 = vector.load %arg2[%swap3A, %swap3A_195, %swap3A_196] : memref<1x1024x4xf32, #tpu.memory_space<vmem>>, vector<1x1024x4xf32>
    tpu.vector_store %arg2[%swap3A, %swap3A_195, %swap3A_196], %broadcast_in_dim3A_194 {strides = array<i32>} : memref<1x1024x4xf32, #tpu.memory_space<vmem>>, vector<1x1024x4xf32>,
    %broadcast_in_dim3A_198 = vector.shape_cast %dot_general3A_193 : vector<1024x1xf32> to vector<1x1024x1xf32>
    %swap3A_199 = arith.constant 0 : index
    %swap3A_200 = arith.constant 0 : index
    %swap3A_201 = arith.constant 0 : index
    %swap3A_202 = vector.load %arg3[%swap3A_199, %swap3A_200, %swap3A_201] : memref<1x1024x1xf32, #tpu.memory_space<vmem>>, vector<1x1024x1xf32>
    tpu.vector_store %arg3[%swap3A_199, %swap3A_200, %swap3A_201], %broadcast_in_dim3A_198 {strides = array<i32>} : memref<1x1024x1xf32, #tpu.memory_space<vmem>>, vector<1x1024x1xf32>,
    return
  }
  func.func @transform_0(%arg0: i32) -> (i32, i32, i32) {
    %c0_i32 = arith.constant 0 : i32
    %c0_i32_0 = arith.constant 0 : i32
    %c0_i32_1 = arith.constant 0 : i32
    return %arg0, %c0_i32, %c0_i32_0 : i32, i32, i32
  }
  func.func @transform_1(%arg0: i32) -> (i32, i32, i32) {
    %c0_i32 = arith.constant 0 : i32
    %c0_i32_0 = arith.constant 0 : i32
    %c0_i32_1 = arith.constant 0 : i32
    return %arg0, %c0_i32, %c0_i32_0 : i32, i32, i32
  }
  func.func @transform_2(%arg0: i32) -> (i32, i32, i32) {
    %c0_i32 = arith.constant 0 : i32
    %c0_i32_0 = arith.constant 0 : i32
    %c0_i32_1 = arith.constant 0 : i32
    return %arg0, %c0_i32, %c0_i32_0 : i32, i32, i32
  }
}

</mosaic_0001>

<sc_bundles>
// kernel: kernel.5.cloned.1.call-start
scs
__scs_entry_jumppad:
0x0: {  	(pc) =	sbr.rel $0x88, $3  }
0x1: {  	(tag) =	ssettag $0x0;
	lr =	simm.s32 $0x1  }
0x2: {  	[smem:$0x3F9F] =	sst lr;
	_ =	strace $0xD0000000  }
0x3: {  	_ = 	snop  }
0x4: {  	_ = 	snop  }
0x5: {  	_ = 	snop  }
0x6: {  	_ = 	snop  }
0x7: {  	_ = 	snop  }
__scs_overlays_trampoline_lowered:
0x8: {  	[smem:$0x3FAE] =	sst s0  }
0x9: {  	[smem:$0x3FAF] =	sst s1  }
0xa: {  	[smem:$0x3FB0] =	sst s2  }
0xb: {  	[smem:$0x3FB1] =	sst s3  }
0xc: {  	[smem:$0x3FB2] =	sst s4  }
0xd: {  	[smem:$0x3FB3] =	sst s5  }
0xe: {  	[smem:$0x3FB4] =	sst s6  }
0xf: {  	[smem:$0x3FB5] =	sst s7  }
0x10: {  	[smem:$0x3FB6] =	sst s8  }
0x11: {  	[smem:$0x3FB7] =	sst s9;
	s0 =	simm.s32 @!p0 $0x0  }
0x12: {  	s1 =	sld [smem:$0x3F9D];
	s0 =	simm.s32 @p0 $0x1  }
0x13: {  	[smem:$0x3FB8] =	sst s0;
	s0 =	simm.s32 @!p1 $0x0  }
0x14: {  	s2 =	sld [smem:$0x3F9C];
	s0 =	simm.s32 @p1 $0x1  }
0x15: {  	[smem:$0x3FB9] =	sst s0;
	s0 =	simm.s32 @!p2 $0x0  }
0x16: {  	s3 =	sld [smem:$0x3FDB];
	s0 =	simm.s32 @p2 $0x1  }
0x17: {  	s4 =	simm.s32 $0x1BF5;
	[smem:$0x3FBB] =	sst s0  }
0x18: {  	s0 =	sld [smem:$0x3F9E];
	_ =	swait.ge [sflag:s4], $0x0  }
0x19: {  	s7 =	sld [smem:$0x3F9F]  }
0x1a: {  	s8 =	sadd.s32 $0xFFFFE003, lr  }
0x1b: {  	s9 =	sadd.s32 $0xFFFFFEF7, lr;
	s5 =	simm.s32 $0xFFFFFFFF;
	p2 =	slt.u32 s8, $0xFFFFF086  }
0x1c: {  	p1 =	slt.u32 s9, $0xF7A;
	s5 =	simm.s32 @!p2 $0x0  }
0x1d: {  	s5 =	simm.s32 @p1 $0x1;
	p0 =	seq.s32 s7, s2  }
0x1e: {  	s7 =	smul.u32 @!p0 $0xF7A, s2;
	p2 =	seq.s32 @!p0 s5, $0x0  }
0x1f: {  	s9 =	smul.u32 $0xF7A, s1;
	s8 =	simm.s32 @!p0 $0x1BF5;
	p2 =	por !p2, p0  }
0x20: {  	[sflag:s8] =	ssyncset.s32 @!p0 $0xFFFFF086;
	s6 =	sadd.s32 @!p0 s3, s7;
	s7 =	simm.s32 @!p0 $0x108  }
0x21: {  	s3 =	sadd.s32 s3, s9;
	s6 =	sadd.s32 @!p0 $0x88, s6;
	s7 =	simm.s32 @p2 $0x1082  }
0x22: {  	[simem:s7], [sflag:s8] =	dma.local @!p0 [hbm:s6], $0xF7A  }
0x23: {  	s9 =	sor.u32 $0xD0000000, s2;
	s6 =	simm.s32 $0x108;
	_ =	swait.ge @!p0 [sflag:s8], $0x0  }
0x24: {  	s3 =	sadd.s32 $0x88, s3;
	s6 =	simm.s32 @!p1 $0x1082;
	[sflag:s4] =	ssyncset.s32 $0xFFFFF086  }
0x25: {  	[simem:s6], [sflag:s4] =	dma.local [hbm:s3], $0xF7A  }
0x26: {  	[smem:$0x3F9F] =	sst s1;
	(tag) =	ssettag s2;
	_ =	strace s9  }
0x27: {  	s1 =	sld [smem:$0x3FAF]  }
0x28: {  	s2 =	sld [smem:$0x3FB0]  }
0x29: {  	s4 =	sld [smem:$0x3FB2]  }
0x2a: {  	p0 =	seq.s32 s5, $0x0;
	s5 =	sld [smem:$0x3FB3]  }
0x2b: {  	s6 =	sld [smem:$0x3FB4]  }
0x2c: {  	s7 =	sld [smem:$0x3FB5]  }
0x2d: {  	s3 =	simm.s32 $0x108;
	s8 =	sld [smem:$0x3FB6]  }
0x2e: {  	s3 =	simm.s32 @!p0 $0x1082;
	s9 =	sld [smem:$0x3FB7]  }
0x2f: {  	lr =	sadd.s32 s0, s3;
	s0 =	sld [smem:$0x3FAE]  }
0x30: {  	s3 =	sld [smem:$0x3FB1]  }
0x31: {  	[smem:$0x3FBA] =	sst s10  }
0x32: {  	s10 =	sld [smem:$0x3FB8];
	_ =	sdelay $0x3  }
0x33: {  	p0 =	seq.s32 s10, $0x1;
	s10 =	sld [smem:$0x3FBA];
	_ =	sdelay $0x3  }
0x34: {  	[smem:$0x3FBA] =	sst s10  }
0x35: {  	s10 =	sld [smem:$0x3FB9];
	_ =	sdelay $0x3  }
0x36: {  	p1 =	seq.s32 s10, $0x1;
	s10 =	sld [smem:$0x3FBA];
	_ =	sdelay $0x3  }
0x37: {  	[smem:$0x3FBA] =	sst s10  }
0x38: {  	s10 =	sld [smem:$0x3FBB]  }
0x39: {  	_ = 	snop;
	(pc) =	sbr.ind lr, $3  }
0x3a: {  	_ = 	snop  }
0x3b: {  	_ = 	snop  }
0x3c: {  	p2 =	seq.s32 s10, $0x1;
	s10 =	sld [smem:$0x3FBA]  }
0x3d: {  	_ =	shalt  }
0x3e: {  	_ =	shalt  }
0x3f: {  	_ =	shalt  }
0x40: {  	_ =	shalt  }
0x41: {  	_ =	shalt  }
0x42: {  	_ =	shalt  }
0x43: {  	_ =	shalt  }
0x44: {  	_ =	shalt  }
0x45: {  	_ =	shalt  }
0x46: {  	_ =	shalt  }
0x47: {  	_ =	shalt  }
0x48: {  	_ =	shalt  }
0x49: {  	_ =	shalt  }
0x4a: {  	_ =	shalt  }
0x4b: {  	_ =	shalt  }
0x4c: {  	_ =	shalt  }
0x4d: {  	_ =	shalt  }
0x4e: {  	_ =	shalt  }
0x4f: {  	_ =	shalt  }
0x50: {  	_ =	shalt  }
0x51: {  	_ =	shalt  }
0x52: {  	_ =	shalt  }
0x53: {  	_ =	shalt  }
0x54: {  	_ =	shalt  }
0x55: {  	_ =	shalt  }
0x56: {  	_ =	shalt  }
0x57: {  	_ =	shalt  }
0x58: {  	_ =	shalt  }
0x59: {  	_ =	shalt  }
0x5a: {  	_ =	shalt  }
0x5b: {  	_ =	shalt  }
0x5c: {  	_ =	shalt  }
0x5d: {  	_ =	shalt  }
0x5e: {  	_ =	shalt  }
0x5f: {  	_ =	shalt  }
0x60: {  	_ =	shalt  }
0x61: {  	_ =	shalt  }
0x62: {  	_ =	shalt  }
0x63: {  	_ =	shalt  }
0x64: {  	_ =	shalt  }
0x65: {  	_ =	shalt  }
0x66: {  	_ =	shalt  }
0x67: {  	_ =	shalt  }
0x68: {  	_ =	shalt  }
0x69: {  	_ =	shalt  }
0x6a: {  	_ =	shalt  }
0x6b: {  	_ =	shalt  }
0x6c: {  	_ =	shalt  }
0x6d: {  	_ =	shalt  }
0x6e: {  	_ =	shalt  }
0x6f: {  	_ =	shalt  }
0x70: {  	_ =	shalt  }
0x71: {  	_ =	shalt  }
0x72: {  	_ =	shalt  }
0x73: {  	_ =	shalt  }
0x74: {  	_ =	shalt  }
0x75: {  	_ =	shalt  }
0x76: {  	_ =	shalt  }
0x77: {  	_ =	shalt  }
0x78: {  	_ =	shalt  }
0x79: {  	_ =	shalt  }
0x7a: {  	_ =	shalt  }
0x7b: {  	_ =	shalt  }
0x7c: {  	_ =	shalt  }
0x7d: {  	_ =	shalt  }
0x7e: {  	_ =	shalt  }
0x7f: {  	_ =	shalt  }
0x80: {  	_ =	shalt  }
0x81: {  	_ =	shalt  }
0x82: {  	_ =	shalt  }
0x83: {  	_ =	shalt  }
0x84: {  	_ =	shalt  }
0x85: {  	_ =	shalt  }
0x86: {  	_ =	shalt  }
0x87: {  	_ =	shalt  }
.Lfunc_end0:
.L_simem_size_0:
called_computation_lowered:
.L_overlay_start_0:
0x88: {  	s2 =	sld [smem:$0x3FD9]  }
0x89: {  	s3 =	sld [smem:$0x3FFE];
	_ =	sdelay $0x1  }
0x8a: {  	s1 =	srdreg.scid  }
0x8b: {  	s0 =	sand.u32 $0x1, s1  }
0x8c: {  	s14 =	sshll.u32 s0, $0xA;
	s2 =	sadd.s32 s3, s2  }
0x8d: {  	s2 =	sadd.s32 s2, s14  }
0x8e: {  	[smem:$0x3FC6] =	sst s2  }
0x8f: {  	_ = 	snop  }
0x90: {  	s2 =	sld [smem:$0x3FD0];
	_ =	sdelay $0x2  }
0x91: {  	s15 =	simm.s32 $0xA;
	s4 =	simm.s32 $0x10  }
0x92: {  	[smem:s4], [sflag:s15] =	dma.local [hbm:s2], $0x1  }
0x93: {  	_ =	swait.eq [sflag:s15], $0x1  }
0x94: {  	[sflag:s15] =	ssyncset.done $0x0  }
0x95: {  	[sflag:s15] =	ssyncadd.s32 $0xFFFFFFFF  }
0x96: {  	s16 =	sld [smem:$0x10];
	(tm) =	ssettm $0x1  }
0x97: {  	s17 =	sld [smem:$0x3FFB];
	_ =	sdelay $0x3  }
0x98: {  	_ =	strace s17  }
0x99: {  	s3 =	sld [smem:$0x3FFC];
	_ =	sdelay $0x3  }
0x9a: {  	_ =	strace s3  }
0x9b: {  	s3 =	sld [smem:$0x3FFD];
	_ =	sdelay $0x3  }
0x9c: {  	_ =	strace s3  }
0x9d: {  	_ =	strace $0x8FFFFFFF  }
0x9e: {  	s18 =	sld [smem:$0x3FDB];
	_ =	sdelay $0x1  }
0x9f: {  	s19 =	simm.s32 $_scs_section_size  }
0xa0: {  	s5 =	simm.s32 $_size__tile_overlayer_lowered;
	s6 =	simm.s32 $_tile_overlayer_lowered  }
0xa1: {  	s22 =	simm.s32 $0x1BFF;
	s21 =	sshll.u32 s6, $0x1;
	s3 =	sadd.s32 s19, s18  }
0xa2: {  	s7 =	simm.s32 $0x0;
	s20 =	sshll.u32 s5, $0x1;
	s5 =	sadd.s32 s21, s3  }
0xa3: {  	[timem:s7], [sflag:s22] =	dma.local [hbm:s5], s20  }
0xa4: {  	_ =	swait.ge [sflag:s22], s20  }
0xa5: {  	s4 =	ssub.s32 $0x0, s20;
	[sflag:s22] =	ssyncset.done $0x0  }
0xa6: {  	[sflag:s22] =	ssyncadd.s32 s4;
	_ =	sdelay $0x1  }
0xa7: {  	s23 =	simm.s32 $0x1B8B  }
0xa8: {  	_ =	swait.ge [sflag:s23], $0x1  }
0xa9: {  	[sflag:s23] =	ssyncset.done $0x0  }
0xaa: {  	s25 =	simm.s32 $0x1B8E;
	s24 =	sld [smem:$0x3FFE];
	[sflag:s23] =	ssyncadd.s32 $0xFFFFFFFF  }
0xab: {  	s26 =	simm.s32 $execute0_lowered;
	[smem:$0x3FD2] =	sst s25  }
0xac: {  	s5 =	sshll.u32 s26, $0x1;
	_ =	strace $0x80000046;
	[dreg:$0x1] =	wrdreg $0xFFFFFFFF  }
0xad: {  	s28 =	simm.s32 $_size_execute0_lowered;
	s3 =	sadd.s32 s3, s5;
	[dreg:$0x0] =	wrdreg $0x0  }
0xae: {  	s5 =	sshll.u32 s28, $0x1;
	[dreg:$0x2] =	wrdreg s3  }
0xaf: {  	[dreg:$0x3] =	wrdreg s5  }
0xb0: {  	[dreg:$0x4] =	wrdreg $0xC0  }
0xb1: {  	_ =	task [dreg:s7], $0x5FFFF  }
0xb2: {  	[dreg:$0x1] =	wrdreg $0xFFFFFFFF  }
0xb3: {  	[dreg:$0x0] =	wrdreg $0x60  }
0xb4: {  	[dreg:$0x2] =	wrdreg s16  }
0xb5: {  	[dreg:$0x3] =	wrdreg s24  }
0xb6: {  	[dreg:$0x4] =	wrdreg $0x9  }
0xb7: {  	_ =	task.clear_ibuf [dreg:s7], $0x5FFFF;
	_ =	strace $0x90000046  }
0xb8: {  	s29 =	simm.s32 $0x9;
	_ =	strace $0x80000048  }
0xb9: {  	_ =	swait.ge [sflag:s29], $0x1  }
0xba: {  	[sflag:s29] =	ssyncadd.s32 $0xFFFFFFFF  }
0xbb: {  	_ =	strace $0x90000048  }
0xbc: {  	_ =	sfence  }
0xbd: {  	s30 =	sld [smem:$0x0];
	_ =	sdelay $0x2  }
0xbe: {  	s31 =	sshll.u32 s1, $0xD;
	s1 =	sshrl.u32 s1, $0x2  }
0xbf: {  	s3 =	sand.u32 $0x4000, s31;
	s1 =	sadd.s32 s1, s30  }
0xc0: {  	s0 =	sor.u32 s3, s0;
	s1 =	sshll.u32 s1, $0x11  }
0xc1: {  	s0 =	sor.u32 s1, s0  }
0xc2: {  	s0 =	sadd.s32 $0x8F2B, s0  }
0xc3: {  	[sflag:s0] =	ssyncadd.remote.s32 $0x1  }
0xc4: {  	_ =	sfence.sel $0xFFFF  }
0xc5: {  	[dreg:$0x0] =	wrdreg $0xFFFFFFFF;
	(pc) =	sbr.abs _section_cstart, $3  }
0xc6: {  	[dreg:$0x1] =	wrdreg $0xFFFFFFFF  }
0xc7: {  	_ =	task.clear_ibuf [dreg:s7], $0x2FFFF;
	_ =	strace $0x9FFFFFFF  }
0xc8: {  	(tm) =	ssettm $0x7FFFFFFF  }
0xc9: {  	_ =	shalt  }
tec
execute0_lowered:
.L_overlay_start_1:
0x0: {  	(tag) =	ssettag $0x1  }
0x1: {  	s17 =	rddreg [dreg:$0x0]  }
0x2: {  	s2 =	rddreg [dreg:$0x1];
	s3 =	srdreg.scid  }
0x3: {  	s0 =	rddreg [dreg:$0x2];
	s1 =	stileid.u32;
	s22 =	sand.u32 $0x1, s3  }
0x4: {  	s3 =	simm.s32 $0x0;
	s4 =	sshll.u32 s1, $0x5;
	s5 =	sshll.u32 s22, $0x4  }
0x5: {  	[smem:$0x7FF] =	sst s3;
	s18 =	sor.u32 s5, s4  }
0x6: {  	_ =	strace $0x80000047;
	s4 =	simm.s32 $0x2;
	s5 =	sadd.s32 s17, s18  }
0x7: {  	[tilespmem:s3], [sflag:$0x2] =	stream.linear.gather [hbm4b:s5+s3], $0x80, $0x38;
	[tilespmem:$0x100] =	vst v63  }
0x8: {  	_ =	swait.ge [sflag:s4], $0x80  }
0x9: {  	s7 =	simm.s32 $0x80;
	[sflag:s4] =	ssyncset.done $0x0  }
0xa: {  	s8 =	simm.s32 $0x1;
	s6 =	sadd.s32 $0xA000, s2;
	[sflag:s4] =	ssyncadd.s32 $0xFFFFFF80  }
0xb: {  	[tilespmem:s7], [sflag:$0x1] =	stream.indirect.gather [hbm4b:s6+s7], $0x1, s3, s7, $0xb8;
	[tilespmem:$0x100] =	vst v63  }
0xc: {  	_ =	swait.ge [sflag:s8], $0x80  }
0xd: {  	s19 =	sadd.s32 $0xC800, s2;
	[sflag:s8] =	ssyncset.done $0x0  }
0xe: {  	s9 =	sadd.s32 s19, s18;
	[sflag:s8] =	ssyncadd.s32 $0xFFFFFF80  }
0xf: {  	[hbm4b:s9+s3] =	stream.linear.scatter [tilespmem:s7], [sflag:$0x2], $0x80, $0x38;
	[tilespmem:$0x100] =	vst v63  }
0x10: {  	_ =	swait.ge [sflag:s4], $0x80  }
0x11: {  	[sflag:s4] =	ssyncset.done $0x0  }
0x12: {  	s10 =	sadd.s32 $0x7800, s2;
	[sflag:s4] =	ssyncadd.s32 $0xFFFFFF80  }
0x13: {  	[tilespmem:s7], [sflag:$0x1] =	stream.indirect.gather [hbm4b:s10+s7], $0x1, s3, s7, $0xb8;
	[tilespmem:$0x100] =	vst v63  }
0x14: {  	_ =	swait.ge [sflag:s8], $0x80  }
0x15: {  	s20 =	sadd.s32 $0xCC00, s2;
	[sflag:s8] =	ssyncset.done $0x0  }
0x16: {  	s11 =	sadd.s32 s20, s18;
	[sflag:s8] =	ssyncadd.s32 $0xFFFFFF80  }
0x17: {  	[hbm4b:s11+s3] =	stream.linear.scatter [tilespmem:s7], [sflag:$0x2], $0x80, $0x38;
	[tilespmem:$0x100] =	vst v63  }
0x18: {  	_ =	swait.ge [sflag:s4], $0x80  }
0x19: {  	[sflag:s4] =	ssyncset.done $0x0  }
0x1a: {  	s12 =	sadd.s32 $0x5000, s2;
	[sflag:s4] =	ssyncadd.s32 $0xFFFFFF80  }
0x1b: {  	[tilespmem:s7], [sflag:$0x1] =	stream.indirect.gather [hbm4b:s12+s7], $0x1, s3, s7, $0xb8;
	[tilespmem:$0x100] =	vst v63  }
0x1c: {  	_ =	swait.ge [sflag:s8], $0x80  }
0x1d: {  	s21 =	sadd.s32 $0xD000, s2;
	[sflag:s8] =	ssyncset.done $0x0  }
0x1e: {  	s13 =	sadd.s32 s21, s18;
	[sflag:s8] =	ssyncadd.s32 $0xFFFFFF80  }
0x1f: {  	[hbm4b:s13+s3] =	stream.linear.scatter [tilespmem:s7], [sflag:$0x2], $0x80, $0x38;
	[tilespmem:$0x100] =	vst v63  }
0x20: {  	_ =	swait.ge [sflag:s4], $0x80  }
0x21: {  	[sflag:s4] =	ssyncset.done $0x0  }
0x22: {  	s14 =	sadd.s32 $0x2800, s2;
	[sflag:s4] =	ssyncadd.s32 $0xFFFFFF80  }
0x23: {  	[tilespmem:s7], [sflag:$0x1] =	stream.indirect.gather [hbm4b:s14+s7], $0x1, s3, s7, $0xb8;
	[tilespmem:$0x100] =	vst v63  }
0x24: {  	_ =	swait.ge [sflag:s8], $0x80  }
0x25: {  	s23 =	sadd.s32 $0xD400, s2;
	[sflag:s8] =	ssyncset.done $0x0  }
0x26: {  	s15 =	sadd.s32 s23, s18;
	[sflag:s8] =	ssyncadd.s32 $0xFFFFFF80  }
0x27: {  	[hbm4b:s15+s3] =	stream.linear.scatter [tilespmem:s7], [sflag:$0x2], $0x80, $0x38;
	[tilespmem:$0x100] =	vst v63  }
0x28: {  	_ =	swait.ge [sflag:s4], $0x80  }
0x29: {  	[sflag:s4] =	ssyncset.done $0x0  }
0x2a: {  	[sflag:s4] =	ssyncadd.s32 $0xFFFFFF80  }
0x2b: {  	[tilespmem:s7], [sflag:$0x1] =	stream.indirect.gather [hbm4b:s2+s7], $0x1, s3, s7, $0xb8;
	[tilespmem:$0x100] =	vst v63  }
0x2c: {  	_ =	swait.ge [sflag:s8], $0x80  }
0x2d: {  	s24 =	sadd.s32 $0xD800, s2;
	[sflag:s8] =	ssyncset.done $0x0  }
0x2e: {  	s16 =	sadd.s32 s24, s18;
	[sflag:s8] =	ssyncadd.s32 $0xFFFFFF80  }
0x2f: {  	[hbm4b:s16+s3] =	stream.linear.scatter [tilespmem:s7], [sflag:$0x2], $0x80, $0x38;
	[tilespmem:$0x100] =	vst v63  }
0x30: {  	_ =	swait.ge [sflag:s4], $0x80  }
0x31: {  	s25 =	sor.u32 $0x200, s18;
	[sflag:s4] =	ssyncset.done $0x0  }
0x32: {  	s17 =	sadd.s32 s17, s25;
	[sflag:s4] =	ssyncadd.s32 $0xFFFFFF80  }
0x33: {  	[tilespmem:s3], [sflag:$0x2] =	stream.linear.gather [hbm4b:s17+s3], $0x80, $0x38;
	[tilespmem:$0x100] =	vst v63  }
0x34: {  	_ =	swait.ge [sflag:s4], $0x80  }
0x35: {  	[sflag:s4] =	ssyncset.done $0x0  }
0x36: {  	[sflag:s4] =	ssyncadd.s32 $0xFFFFFF80  }
0x37: {  	[tilespmem:s7], [sflag:$0x1] =	stream.indirect.gather [hbm4b:s6+s7], $0x1, s3, s7, $0xb8;
	[tilespmem:$0x100] =	vst v63  }
0x38: {  	_ =	swait.ge [sflag:s8], $0x80  }
0x39: {  	[sflag:s8] =	ssyncset.done $0x0  }
0x3a: {  	s18 =	sadd.s32 s19, s25;
	[sflag:s8] =	ssyncadd.s32 $0xFFFFFF80  }
0x3b: {  	[hbm4b:s18+s3] =	stream.linear.scatter [tilespmem:s7], [sflag:$0x2], $0x80, $0x38;
	[tilespmem:$0x100] =	vst v63  }
0x3c: {  	_ =	swait.ge [sflag:s4], $0x80  }
0x3d: {  	[sflag:s4] =	ssyncset.done $0x0  }
0x3e: {  	[sflag:s4] =	ssyncadd.s32 $0xFFFFFF80  }
0x3f: {  	[tilespmem:s7], [sflag:$0x1] =	stream.indirect.gather [hbm4b:s10+s7], $0x1, s3, s7, $0xb8;
	[tilespmem:$0x100] =	vst v63  }
0x40: {  	_ =	swait.ge [sflag:s8], $0x80  }
0x41: {  	[sflag:s8] =	ssyncset.done $0x0  }
0x42: {  	s19 =	sadd.s32 s20, s25;
	[sflag:s8] =	ssyncadd.s32 $0xFFFFFF80  }
0x43: {  	[hbm4b:s19+s3] =	stream.linear.scatter [tilespmem:s7], [sflag:$0x2], $0x80, $0x38;
	[tilespmem:$0x100] =	vst v63  }
0x44: {  	_ =	swait.ge [sflag:s4], $0x80  }
0x45: {  	[sflag:s4] =	ssyncset.done $0x0  }
0x46: {  	[sflag:s4] =	ssyncadd.s32 $0xFFFFFF80  }
0x47: {  	[tilespmem:s7], [sflag:$0x1] =	stream.indirect.gather [hbm4b:s12+s7], $0x1, s3, s7, $0xb8;
	[tilespmem:$0x100] =	vst v63  }
0x48: {  	_ =	swait.ge [sflag:s8], $0x80  }
0x49: {  	[sflag:s8] =	ssyncset.done $0x0  }
0x4a: {  	s20 =	sadd.s32 s21, s25;
	[sflag:s8] =	ssyncadd.s32 $0xFFFFFF80  }
0x4b: {  	[hbm4b:s20+s3] =	stream.linear.scatter [tilespmem:s7], [sflag:$0x2], $0x80, $0x38;
	[tilespmem:$0x100] =	vst v63  }
0x4c: {  	_ =	swait.ge [sflag:s4], $0x80  }
0x4d: {  	[sflag:s4] =	ssyncset.done $0x0  }
0x4e: {  	[sflag:s4] =	ssyncadd.s32 $0xFFFFFF80  }
0x4f: {  	[tilespmem:s7], [sflag:$0x1] =	stream.indirect.gather [hbm4b:s14+s7], $0x1, s3, s7, $0xb8;
	[tilespmem:$0x100] =	vst v63  }
0x50: {  	_ =	swait.ge [sflag:s8], $0x80  }
0x51: {  	[sflag:s8] =	ssyncset.done $0x0  }
0x52: {  	s22 =	ssub.s32 $0x2, s22;
	s21 =	sadd.s32 s23, s25;
	[sflag:s8] =	ssyncadd.s32 $0xFFFFFF80  }
0x53: {  	[hbm4b:s21+s3] =	stream.linear.scatter [tilespmem:s7], [sflag:$0x2], $0x80, $0x38;
	[tilespmem:$0x100] =	vst v63  }
0x54: {  	s31 =	sshrl.u32 s22, $0x1;
	_ =	swait.ge [sflag:s4], $0x80  }
0x55: {  	s23 =	ssub.s32 s22, s31;
	[sflag:s4] =	ssyncset.done $0x0  }
0x56: {  	s23 =	smax.u32 s23, $0x1;
	[sflag:s4] =	ssyncadd.s32 $0xFFFFFF80  }
0x57: {  	[tilespmem:s7], [sflag:$0x1] =	stream.indirect.gather [hbm4b:s2+s7], $0x1, s3, s7, $0xb8;
	[tilespmem:$0x100] =	vst v63  }
0x58: {  	p0 =	sne.s32 s23, $0x1;
	_ =	swait.ge [sflag:s8], $0x80  }
.Ltmp0:
0x59: {  	[sflag:s8] =	ssyncset.done $0x0;
	(pc) =	sbr.rel @!p0 .LBB2_2-.Ltmp0, $4  }
0x5a: {  	s22 =	sadd.s32 s24, s25;
	[sflag:s8] =	ssyncadd.s32 $0xFFFFFF80  }
0x5b: {  	[hbm4b:s22+s3] =	stream.linear.scatter [tilespmem:s7], [sflag:$0x2], $0x80, $0x38;
	[tilespmem:$0x100] =	vst v63  }
0x5c: {  	_ =	swait.ge [sflag:s4], $0x80  }
0x5d: {  	s23 =	sadd.s32 $0xFFFFFFFF, s23;
	[sflag:s4] =	ssyncset.done $0x0  }
.LBB2_1:
0x5e: {  	p0 =	sne.s32 s23, $0x1;
	s23 =	sadd.s32 $0xFFFFFFFF, s23;
	[sflag:s4] =	ssyncadd.s32 $0xFFFFFF80  }
0x5f: {  	[tilespmem:s3], [sflag:$0x2] =	stream.linear.gather [hbm4b:s5+s3], $0x80, $0x38;
	[tilespmem:$0x100] =	vst v63  }
0x60: {  	_ =	swait.ge [sflag:s4], $0x80  }
0x61: {  	[sflag:s4] =	ssyncset.done $0x0  }
0x62: {  	[sflag:s4] =	ssyncadd.s32 $0xFFFFFF80  }
0x63: {  	[tilespmem:s7], [sflag:$0x1] =	stream.indirect.gather [hbm4b:s6+s7], $0x1, s3, s7, $0xb8;
	[tilespmem:$0x100] =	vst v63  }
0x64: {  	_ =	swait.ge [sflag:s8], $0x80  }
0x65: {  	[sflag:s8] =	ssyncset.done $0x0  }
0x66: {  	[sflag:s8] =	ssyncadd.s32 $0xFFFFFF80  }
0x67: {  	[hbm4b:s9+s3] =	stream.linear.scatter [tilespmem:s7], [sflag:$0x2], $0x80, $0x38;
	[tilespmem:$0x100] =	vst v63  }
0x68: {  	_ =	swait.ge [sflag:s4], $0x80  }
0x69: {  	[sflag:s4] =	ssyncset.done $0x0  }
0x6a: {  	[sflag:s4] =	ssyncadd.s32 $0xFFFFFF80  }
0x6b: {  	[tilespmem:s7], [sflag:$0x1] =	stream.indirect.gather [hbm4b:s10+s7], $0x1, s3, s7, $0xb8;
	[tilespmem:$0x100] =	vst v63  }
0x6c: {  	_ =	swait.ge [sflag:s8], $0x80  }
0x6d: {  	[sflag:s8] =	ssyncset.done $0x0  }
0x6e: {  	[sflag:s8] =	ssyncadd.s32 $0xFFFFFF80  }
0x6f: {  	[hbm4b:s11+s3] =	stream.linear.scatter [tilespmem:s7], [sflag:$0x2], $0x80, $0x38;
	[tilespmem:$0x100] =	vst v63  }
0x70: {  	_ =	swait.ge [sflag:s4], $0x80  }
0x71: {  	[sflag:s4] =	ssyncset.done $0x0  }
0x72: {  	[sflag:s4] =	ssyncadd.s32 $0xFFFFFF80  }
0x73: {  	[tilespmem:s7], [sflag:$0x1] =	stream.indirect.gather [hbm4b:s12+s7], $0x1, s3, s7, $0xb8;
	[tilespmem:$0x100] =	vst v63  }
0x74: {  	_ =	swait.ge [sflag:s8], $0x80  }
0x75: {  	[sflag:s8] =	ssyncset.done $0x0  }
0x76: {  	[sflag:s8] =	ssyncadd.s32 $0xFFFFFF80  }
0x77: {  	[hbm4b:s13+s3] =	stream.linear.scatter [tilespmem:s7], [sflag:$0x2], $0x80, $0x38;
	[tilespmem:$0x100] =	vst v63  }
0x78: {  	_ =	swait.ge [sflag:s4], $0x80  }
0x79: {  	[sflag:s4] =	ssyncset.done $0x0  }
0x7a: {  	[sflag:s4] =	ssyncadd.s32 $0xFFFFFF80  }
0x7b: {  	[tilespmem:s7], [sflag:$0x1] =	stream.indirect.gather [hbm4b:s14+s7], $0x1, s3, s7, $0xb8;
	[tilespmem:$0x100] =	vst v63  }
0x7c: {  	_ =	swait.ge [sflag:s8], $0x80  }
0x7d: {  	[sflag:s8] =	ssyncset.done $0x0  }
0x7e: {  	[sflag:s8] =	ssyncadd.s32 $0xFFFFFF80  }
0x7f: {  	[hbm4b:s15+s3] =	stream.linear.scatter [tilespmem:s7], [sflag:$0x2], $0x80, $0x38;
	[tilespmem:$0x100] =	vst v63  }
0x80: {  	_ =	swait.ge [sflag:s4], $0x80  }
0x81: {  	[sflag:s4] =	ssyncset.done $0x0  }
0x82: {  	[sflag:s4] =	ssyncadd.s32 $0xFFFFFF80  }
0x83: {  	[tilespmem:s7], [sflag:$0x1] =	stream.indirect.gather [hbm4b:s2+s7], $0x1, s3, s7, $0xb8;
	[tilespmem:$0x100] =	vst v63  }
0x84: {  	_ =	swait.ge [sflag:s8], $0x80  }
0x85: {  	[sflag:s8] =	ssyncset.done $0x0  }
0x86: {  	[sflag:s8] =	ssyncadd.s32 $0xFFFFFF80  }
0x87: {  	[hbm4b:s16+s3] =	stream.linear.scatter [tilespmem:s7], [sflag:$0x2], $0x80, $0x38;
	[tilespmem:$0x100] =	vst v63  }
0x88: {  	_ =	swait.ge [sflag:s4], $0x80  }
0x89: {  	[sflag:s4] =	ssyncset.done $0x0  }
0x8a: {  	[sflag:s4] =	ssyncadd.s32 $0xFFFFFF80  }
0x8b: {  	[tilespmem:s3], [sflag:$0x2] =	stream.linear.gather [hbm4b:s17+s3], $0x80, $0x38;
	[tilespmem:$0x100] =	vst v63  }
0x8c: {  	_ =	swait.ge [sflag:s4], $0x80  }
0x8d: {  	[sflag:s4] =	ssyncset.done $0x0  }
0x8e: {  	[sflag:s4] =	ssyncadd.s32 $0xFFFFFF80  }
0x8f: {  	[tilespmem:s7], [sflag:$0x1] =	stream.indirect.gather [hbm4b:s6+s7], $0x1, s3, s7, $0xb8;
	[tilespmem:$0x100] =	vst v63  }
0x90: {  	_ =	swait.ge [sflag:s8], $0x80  }
0x91: {  	[sflag:s8] =	ssyncset.done $0x0  }
0x92: {  	[sflag:s8] =	ssyncadd.s32 $0xFFFFFF80  }
0x93: {  	[hbm4b:s18+s3] =	stream.linear.scatter [tilespmem:s7], [sflag:$0x2], $0x80, $0x38;
	[tilespmem:$0x100] =	vst v63  }
0x94: {  	_ =	swait.ge [sflag:s4], $0x80  }
0x95: {  	[sflag:s4] =	ssyncset.done $0x0  }
0x96: {  	[sflag:s4] =	ssyncadd.s32 $0xFFFFFF80  }
0x97: {  	[tilespmem:s7], [sflag:$0x1] =	stream.indirect.gather [hbm4b:s10+s7], $0x1, s3, s7, $0xb8;
	[tilespmem:$0x100] =	vst v63  }
0x98: {  	_ =	swait.ge [sflag:s8], $0x80  }
0x99: {  	[sflag:s8] =	ssyncset.done $0x0  }
0x9a: {  	[sflag:s8] =	ssyncadd.s32 $0xFFFFFF80  }
0x9b: {  	[hbm4b:s19+s3] =	stream.linear.scatter [tilespmem:s7], [sflag:$0x2], $0x80, $0x38;
	[tilespmem:$0x100] =	vst v63  }
0x9c: {  	_ =	swait.ge [sflag:s4], $0x80  }
0x9d: {  	[sflag:s4] =	ssyncset.done $0x0  }
0x9e: {  	[sflag:s4] =	ssyncadd.s32 $0xFFFFFF80  }
0x9f: {  	[tilespmem:s7], [sflag:$0x1] =	stream.indirect.gather [hbm4b:s12+s7], $0x1, s3, s7, $0xb8;
	[tilespmem:$0x100] =	vst v63  }
0xa0: {  	_ =	swait.ge [sflag:s8], $0x80  }
0xa1: {  	[sflag:s8] =	ssyncset.done $0x0  }
0xa2: {  	[sflag:s8] =	ssyncadd.s32 $0xFFFFFF80  }
0xa3: {  	[hbm4b:s20+s3] =	stream.linear.scatter [tilespmem:s7], [sflag:$0x2], $0x80, $0x38;
	[tilespmem:$0x100] =	vst v63  }
0xa4: {  	_ =	swait.ge [sflag:s4], $0x80  }
0xa5: {  	[sflag:s4] =	ssyncset.done $0x0  }
0xa6: {  	[sflag:s4] =	ssyncadd.s32 $0xFFFFFF80  }
0xa7: {  	[tilespmem:s7], [sflag:$0x1] =	stream.indirect.gather [hbm4b:s14+s7], $0x1, s3, s7, $0xb8;
	[tilespmem:$0x100] =	vst v63  }
0xa8: {  	_ =	swait.ge [sflag:s8], $0x80  }
0xa9: {  	[sflag:s8] =	ssyncset.done $0x0  }
0xaa: {  	[sflag:s8] =	ssyncadd.s32 $0xFFFFFF80  }
0xab: {  	[hbm4b:s21+s3] =	stream.linear.scatter [tilespmem:s7], [sflag:$0x2], $0x80, $0x38;
	[tilespmem:$0x100] =	vst v63  }
0xac: {  	_ =	swait.ge [sflag:s4], $0x80  }
0xad: {  	[sflag:s4] =	ssyncset.done $0x0  }
0xae: {  	[sflag:s4] =	ssyncadd.s32 $0xFFFFFF80  }
0xaf: {  	[tilespmem:s7], [sflag:$0x1] =	stream.indirect.gather [hbm4b:s2+s7], $0x1, s3, s7, $0xb8;
	[tilespmem:$0x100] =	vst v63  }
0xb0: {  	_ =	swait.ge [sflag:s8], $0x80  }
.Ltmp1:
0xb1: {  	[sflag:s8] =	ssyncset.done $0x0;
	(pc) =	sbr.rel @p0 .LBB2_1-.Ltmp1, $4  }
0xb2: {  	[sflag:s8] =	ssyncadd.s32 $0xFFFFFF80  }
0xb3: {  	[hbm4b:s22+s3] =	stream.linear.scatter [tilespmem:s7], [sflag:$0x2], $0x80, $0x38;
	[tilespmem:$0x100] =	vst v63  }
0xb4: {  	_ =	swait.ge [sflag:s4], $0x80  }
0xb5: {  	[sflag:s4] =	ssyncset.done $0x0  }
.LBB2_2:
0xb6: {  	[sflag:s4] =	ssyncadd.s32 $0xFFFFFF80  }
0xb7: {  	_ =	sfence.sel $0x180000  }
0xb8: {  	[bflag:$0x0] =	sbarrier.arrive $0xFFFF  }
0xb9: {  	p0 =	sne.s32 s1, $0x0;
	_ =	strace $0x90000047  }
0xba: {  	s0 =	sadd.s32 @!p0 $0x100000, s0;
	[bflag:$0x2] =	sbarrier.arrive $0xFFFF  }
0xbb: {  	[sflag:s0] =	ssyncadd.tile.s32 @!p0 $0x1;
	_ =	shalt  }
.Lfunc_end2:
_tile_overlayer_lowered:
.L_overlay_start_2:
0xbc: {  	(tag) =	ssettag $0x2  }
0xbd: {  	s0 =	rddreg [dreg:$0x0];
	s2 =	stileid.u32  }
0xbe: {  	s1 =	rddreg [dreg:$0x1];
	p0 =	sne.s32 s2, $0x0  }
0xbf: {  	s3 =	rddreg [dreg:$0x2];
	[bflag:$0x3] =	sbarrier.arrive $0xFFFF;
	s2 =	simm.s32 @!p0 $0x1C02  }
0xc0: {  	[timem:s3], [sflag:s2] =	dma.local @!p0 [hbm:s0], s1  }
0xc1: {  	s0 =	simm.s32 @!p0 $0x2  }
0xc2: {  	_ =	swait.ge @!p0 [sflag:s0], s1  }
0xc3: {  	s1 =	ssub.s32 @!p0 $0x0, s1;
	[sflag:s0] =	ssyncset.done @!p0 $0x0  }
0xc4: {  	[sflag:s0] =	ssyncadd.s32 @!p0 s1  }
0xc5: {  	[bflag:$0x3] =	sbarrier.arrive $0xFFFF  }
0xc6: {  	_ =	shalt  }

</sc_bundles>
